<compile_context>
chip_gen: v7x
topology: tpu7x:2x2x1
jax: 0.10.2.dev20260603
libtpu: 0.0.44.dev20260713+nightly
codegen_flags: <defaults>
</compile_context>

<pallas_src>
import functools

import jax
import jax.numpy as jnp
from jax import lax
from jax.experimental import pallas as pl
from jax.experimental.pallas import tpu as pltpu
from jax.experimental.pallas import tpu_sc as plsc

_MARGIN = 1.0
_NUM_CLASSES = 10
_B = 256
_BIG = 3.0e38
_NEG = -3.0e38

_NC = 1
_NS = 16
_L = 16
_NW = _NC * _NS
_NPW = _B // _NW
_DP_LANE = _NUM_CLASSES


def _dense_kernel(x_ref, lab_row_ref, lab_col_ref,
                  d_ref, nd_ref, oc_ref, ord_ref):
    x = x_ref[:, :]
    lab_row = lab_row_ref[:, :]
    lab_col = lab_col_ref[:, :]
    B = x.shape[0]

    g = jax.lax.dot_general(
        x, x, (((1,), (1,)), ((), ())), preferred_element_type=jnp.float32,
        precision=jax.lax.Precision.HIGHEST,
    )
    eye = (
        jax.lax.broadcasted_iota(jnp.int32, (B, B), 0)
        == jax.lax.broadcasted_iota(jnp.int32, (B, B), 1)
    )
    diag = jnp.where(eye, g, 0.0)
    n_col = jnp.sum(diag, axis=1, keepdims=True)
    n_row = jnp.sum(diag, axis=0, keepdims=True)
    d = n_col + n_row - 2.0 * g
    d_ref[:, :] = d

    same = lab_col == lab_row
    lt = lab_col < lab_row
    gt = lab_col > lab_row

    dp = jnp.max(jnp.where(same, d, _NEG), axis=1, keepdims=True)

    s_row = jnp.sum(d, axis=1, keepdims=True)
    cols = [None] * _L
    for c in range(_NUM_CLASSES):
        cs_c = jnp.sum(jnp.where(lab_row == c, d, 0.0), axis=1, keepdims=True)
        cols[c] = s_row - cs_c
    cols[_DP_LANE] = dp
    for c in range(_DP_LANE + 1, _L):
        cols[c] = jnp.full((B, 1), _BIG, jnp.float32)
    nd_ref[:, :] = jnp.concatenate(cols, axis=1)

    off_col = jnp.sum(gt.astype(jnp.int32), axis=1, keepdims=True)
    cnt_col = jnp.sum(same.astype(jnp.int32), axis=1, keepdims=True)
    zeros = jnp.zeros((B, 1), jnp.int32)
    oc_ref[:, :] = jnp.concatenate([off_col, cnt_col] + [zeros] * (_L - 2),
                                   axis=1)

    idx_row = jax.lax.broadcasted_iota(jnp.int32, (B, B), 1)
    idx_col = jax.lax.broadcasted_iota(jnp.int32, (B, B), 0)
    before = jnp.logical_or(lt, jnp.logical_and(same, idx_col < idx_row))
    pos_row = jnp.sum(before.astype(jnp.int32), axis=0, keepdims=True)

    sel = pos_row == idx_col
    ord_ref[:, :] = jnp.sum(jnp.where(sel, idx_row, 0), axis=1, keepdims=True)


def _mine_body(d_hbm, nd_hbm, oc_hbm, ord_hbm, out_hbm,
               drows, ndrows, ocrows, ordv, outv, semd, sem):
    c = lax.axis_index("c")
    s = lax.axis_index("s")
    wid = s * _NC + c
    base = wid * _NPW

    cpd = pltpu.make_async_copy(d_hbm.at[pl.ds(base, _NPW)], drows, semd)
    cp2 = pltpu.make_async_copy(nd_hbm.at[pl.ds(base, _NPW)], ndrows, sem)
    cp3 = pltpu.make_async_copy(oc_hbm.at[pl.ds(base, _NPW)], ocrows, sem)
    cp4 = pltpu.make_async_copy(ord_hbm, ordv, sem)
    cpd.start()
    cp2.start()
    cp3.start()
    cp4.start()
    cp2.wait()
    cp3.wait()
    cp4.wait()

    lanes = jax.lax.broadcasted_iota(jnp.int32, (_L,), 0)
    m_acc = jnp.zeros((_L,), jnp.int32)

    for a in range(_NPW):
        ndv = ndrows[a, pl.ds(0, _L)]
        neg_v = jnp.where(lanes < _NUM_CLASSES, ndv, _BIG)
        minv = jnp.min(neg_v)
        m_v = plsc.all_reduce_ffs(neg_v == minv)
        m_acc = jnp.where(lanes == a, m_v, m_acc)

    zeros = jnp.zeros((_L,), jnp.int32)
    off_all = plsc.load_gather(ocrows, [lanes, zeros])
    cnt_all = plsc.load_gather(ocrows, [lanes, jnp.ones((_L,), jnp.int32)])
    dp_all = plsc.load_gather(ndrows, [lanes, jnp.full((_L,), _DP_LANE, jnp.int32)])
    pv = m_acc + jnp.where(m_acc >= off_all, cnt_all, zeros)
    wn_all = plsc.load_gather(ordv, [pv])
    cpd.wait()
    dn_all = plsc.load_gather(drows, [lanes, wn_all])

    outv[...] = jnp.maximum(dp_all - dn_all + _MARGIN, 0.0)
    pltpu.sync_copy(outv.at[pl.ds(0, _NPW)], out_hbm.at[pl.ds(base, _NPW)])


@functools.lru_cache(maxsize=1)
def _make_mine():
    return pl.kernel(
        _mine_body,
        out_type=jax.ShapeDtypeStruct((_B,), jnp.float32),
        mesh=plsc.VectorSubcoreMesh(
            core_axis_name="c", subcore_axis_name="s",
            num_cores=_NC, num_subcores=_NS,
        ),
        compiler_params=pltpu.CompilerParams(needs_layout_passes=False),
        scratch_types=[
            pltpu.VMEM((_NPW, _B), jnp.float32),
            pltpu.VMEM((_NPW, _L), jnp.float32),
            pltpu.VMEM((_NPW, _L), jnp.int32),
            pltpu.VMEM((_B,), jnp.int32),
            pltpu.VMEM((_L,), jnp.float32),
            pltpu.SemaphoreType.DMA,
            pltpu.SemaphoreType.DMA,
        ],
    )


def _sum_kernel(h_ref, out_ref):
    h = h_ref[:, :]
    out_ref[:, :] = jnp.sum(h, axis=1, keepdims=True)


@jax.jit
def kernel(embeddings, labels):
    B = embeddings.shape[0]
    labels = labels.astype(jnp.int32)
    lab_row = labels.reshape(1, B)
    lab_col = labels.reshape(B, 1)
    d, nd, oc, ordc = pl.pallas_call(
        _dense_kernel,
        out_shape=[
            jax.ShapeDtypeStruct((B, B), jnp.float32),
            jax.ShapeDtypeStruct((B, _L), jnp.float32),
            jax.ShapeDtypeStruct((B, _L), jnp.int32),
            jax.ShapeDtypeStruct((B, 1), jnp.int32),
        ],
    )(embeddings, lab_row, lab_col)
    part = _make_mine()(d, nd, oc, ordc.reshape(B))
    out = pl.pallas_call(
        _sum_kernel,
        out_shape=jax.ShapeDtypeStruct((1, 1), jnp.float32),
    )(part.reshape(1, B))
    return out.reshape(())

# --- scband reference (transcript-rebuilt; emitter-appended) ---
"""Pipeline reference for scband-online-triplet-loss-16423954940178 (READ-ONLY COPY).

The authoritative reference and input builder live on the scoring server;
editing this copy changes nothing except your own understanding.
"""

import jax, jax.numpy as jnp
import numpy as np

MARGIN = 1.0
NUM_CLASSES = 10


def _build_index_lists(labels_np):
    list_of_classes = [[] for _ in range(NUM_CLASSES)]
    for idx, lab in enumerate(labels_np):
        list_of_classes[int(lab)].append(idx)
    # skip_i semantics: for each label, concatenate all class lists except the label's own
    list_of_negatives = []
    for label in range(NUM_CLASSES):
        neg = [idx for c in range(NUM_CLASSES) if c != label for idx in list_of_classes[c]]
        list_of_negatives.append(neg)
    return list_of_classes, list_of_negatives


def setup_inputs(seed: int = 0) -> dict:
    key = jax.random.key(seed)
    k1, k2 = jax.random.split(key)
    embeddings = jax.random.normal(k1, (256, 512), dtype=jnp.float32)
    labels = jax.random.randint(k2, (256,), 0, 10, dtype=jnp.int32)
    return {"embeddings": embeddings, "labels": labels}


def reference(embeddings, labels):
    B = embeddings.shape[0]
    ar = jnp.arange(B, dtype=labels.dtype)

    def body(i, loss):
        e = embeddings[i]
        lab = labels[i]
        # positive distances: scalar squared-euclidean per sample vs anchor
        d = jnp.sum((embeddings - e) ** 2, axis=1)
        pos_mask = labels == lab
        # argmax over positives in ascending-index order == masked argmax over full batch
        wp_idx = jnp.argmax(jnp.where(pos_mask, d, -jnp.inf))
        # NOTE (faithful to original): negative_distances iterates over ALL 10 negative
        # lists, each producing a single scalar = sum of squared diffs over the whole group
        class_sums = jax.ops.segment_sum(d, labels, num_segments=NUM_CLASSES)
        neg_d = jnp.sum(class_sums) - class_sums
        # faithful: argmin over the 10 group sums indexes into the label's flat negative list,
        # which is ordered by (class, sample index) with the anchor's class excluded
        m = jnp.argmin(neg_d)
        keys = jnp.where(pos_mask, NUM_CLASSES * B + ar, labels * B + ar)
        order = jnp.argsort(keys)
        wn_idx = order[m]
        worst_positive = embeddings[wp_idx]
        worst_negative = embeddings[wn_idx]
        dp = jnp.sum((e - worst_positive) ** 2)
        dn = jnp.sum((e - worst_negative) ** 2)
        return loss + jax.nn.relu(dp - dn + MARGIN)

    return jax.lax.fori_loop(0, B, body, jnp.asarray(0.0, dtype=jnp.float32))

if __name__ == "__main__":
    import jax
    _d = setup_inputs()
    print(jax.jit(kernel)(*tuple(_d.values())))

</pallas_src>

<mosaic_0001>
#map = affine_map<(d0, d1) -> (0, 0)>
#map1 = affine_map<(d0, d1) -> (0)>
module attributes {stable_mosaic.version = 14 : i64} {
  func.func @_mine_body(%arg0: i32, %arg1: i32, %arg2: memref<256x256xf32, #tpu.memory_space<hbm>>, %arg3: memref<256x16xf32, #tpu.memory_space<hbm>>, %arg4: memref<256x16xi32, #tpu.memory_space<hbm>>, %arg5: memref<256xi32, #tpu.memory_space<hbm>>, %arg6: memref<256xf32, #tpu.memory_space<hbm>>, %arg7: memref<16x256xf32, #tpu.memory_space<vmem>>, %arg8: memref<16x16xf32, #tpu.memory_space<vmem>>, %arg9: memref<16x16xi32, #tpu.memory_space<vmem>>, %arg10: memref<256xi32, #tpu.memory_space<vmem>>, %arg11: memref<16xf32, #tpu.memory_space<vmem>>, %arg12: memref<!tpu.dma_semaphore, #tpu.memory_space<semaphore_mem>>, %arg13: memref<!tpu.dma_semaphore, #tpu.memory_space<semaphore_mem>>) attributes {dimension_semantics = [#tpu.dimension_semantics<core_parallel>, #tpu.dimension_semantics<subcore_parallel>], iteration_bounds = array<i64: 1, 16>, scalar_prefetch = 0 : i64, scratch_operands = 7 : i64, tpu.core_type = #tpu.core_type<sc_vector_subcore>, window_params = [{transform_indices = #map}, {transform_indices = #map}, {transform_indices = #map}, {transform_indices = #map1}, {transform_indices = #map1}]} {
    %mul3A = arith.constant 1 : i32
    %mul3A_0 = arith.muli %arg1, %mul3A : i32
    %add3A = arith.addi %mul3A_0, %arg0 : i32
    %mul3A_1 = arith.constant 16 : i32
    %mul3A_2 = arith.muli %add3A, %mul3A_1 : i32
    %dma_start3A = arith.constant 0 : i32
    %dma_start3A_3 = tpu.memref_slice %arg2[%mul3A_2, %dma_start3A] : memref<256x256xf32, #tpu.memory_space<hbm>> -> memref<16x256xf32, #tpu.memory_space<hbm>>
    %dma_start3A_4 = arith.constant 0 : i32
    %dma_start3A_5 = tpu.memref_slice %arg2[%mul3A_2, %dma_start3A_4] : memref<256x256xf32, #tpu.memory_space<hbm>> -> memref<16x256xf32, #tpu.memory_space<hbm>>
    tpu.enqueue_dma source(%dma_start3A_5 : memref<16x256xf32, #tpu.memory_space<hbm>>) target(%arg7 : memref<16x256xf32, #tpu.memory_space<vmem>>) target_semaphore(%arg12 : memref<!tpu.dma_semaphore, #tpu.memory_space<semaphore_mem>>)
    %dma_start3A_6 = arith.constant 0 : i32
    %dma_start3A_7 = tpu.memref_slice %arg3[%mul3A_2, %dma_start3A_6] : memref<256x16xf32, #tpu.memory_space<hbm>> -> memref<16x16xf32, #tpu.memory_space<hbm>>
    %dma_start3A_8 = arith.constant 0 : i32
    %dma_start3A_9 = tpu.memref_slice %arg3[%mul3A_2, %dma_start3A_8] : memref<256x16xf32, #tpu.memory_space<hbm>> -> memref<16x16xf32, #tpu.memory_space<hbm>>
    tpu.enqueue_dma source(%dma_start3A_9 : memref<16x16xf32, #tpu.memory_space<hbm>>) target(%arg8 : memref<16x16xf32, #tpu.memory_space<vmem>>) target_semaphore(%arg13 : memref<!tpu.dma_semaphore, #tpu.memory_space<semaphore_mem>>)
    %dma_start3A_10 = arith.constant 0 : i32
    %dma_start3A_11 = tpu.memref_slice %arg4[%mul3A_2, %dma_start3A_10] : memref<256x16xi32, #tpu.memory_space<hbm>> -> memref<16x16xi32, #tpu.memory_space<hbm>>
    %dma_start3A_12 = arith.constant 0 : i32
    %dma_start3A_13 = tpu.memref_slice %arg4[%mul3A_2, %dma_start3A_12] : memref<256x16xi32, #tpu.memory_space<hbm>> -> memref<16x16xi32, #tpu.memory_space<hbm>>
    tpu.enqueue_dma source(%dma_start3A_13 : memref<16x16xi32, #tpu.memory_space<hbm>>) target(%arg9 : memref<16x16xi32, #tpu.memory_space<vmem>>) target_semaphore(%arg13 : memref<!tpu.dma_semaphore, #tpu.memory_space<semaphore_mem>>)
    tpu.enqueue_dma source(%arg5 : memref<256xi32, #tpu.memory_space<hbm>>) target(%arg10 : memref<256xi32, #tpu.memory_space<vmem>>) target_semaphore(%arg13 : memref<!tpu.dma_semaphore, #tpu.memory_space<semaphore_mem>>)
    %dma_wait3A = arith.constant 0 : i32
    %dma_wait3A_14 = tpu.memref_slice %arg3[%mul3A_2, %dma_wait3A] : memref<256x16xf32, #tpu.memory_space<hbm>> -> memref<16x16xf32, #tpu.memory_space<hbm>>
    %dma_wait3A_15 = arith.constant 0 : i32
    %dma_wait3A_16 = tpu.memref_slice %arg3[%mul3A_2, %dma_wait3A_15] : memref<256x16xf32, #tpu.memory_space<hbm>> -> memref<16x16xf32, #tpu.memory_space<hbm>>
    tpu.wait_dma2 semaphore(%arg13 : memref<!tpu.dma_semaphore, #tpu.memory_space<semaphore_mem>>) src(%dma_wait3A_16 : memref<16x16xf32, #tpu.memory_space<hbm>>) dst(%arg8 : memref<16x16xf32, #tpu.memory_space<vmem>>)
    %dma_wait3A_17 = arith.constant 0 : i32
    %dma_wait3A_18 = tpu.memref_slice %arg4[%mul3A_2, %dma_wait3A_17] : memref<256x16xi32, #tpu.memory_space<hbm>> -> memref<16x16xi32, #tpu.memory_space<hbm>>
    %dma_wait3A_19 = arith.constant 0 : i32
    %dma_wait3A_20 = tpu.memref_slice %arg4[%mul3A_2, %dma_wait3A_19] : memref<256x16xi32, #tpu.memory_space<hbm>> -> memref<16x16xi32, #tpu.memory_space<hbm>>
    tpu.wait_dma2 semaphore(%arg13 : memref<!tpu.dma_semaphore, #tpu.memory_space<semaphore_mem>>) src(%dma_wait3A_20 : memref<16x16xi32, #tpu.memory_space<hbm>>) dst(%arg9 : memref<16x16xi32, #tpu.memory_space<vmem>>)
    tpu.wait_dma2 semaphore(%arg13 : memref<!tpu.dma_semaphore, #tpu.memory_space<semaphore_mem>>) src(%arg5 : memref<256xi32, #tpu.memory_space<hbm>>) dst(%arg10 : memref<256xi32, #tpu.memory_space<vmem>>)
    %iota3A = tpu.iota {dimensions = array<i32: 0>} : vector<16xi32>
    %broadcast_in_dim3A = arith.constant 0 : i32
    %broadcast_in_dim3A_21 = vector.broadcast %broadcast_in_dim3A : i32 to vector<16xi32>
    %get3A = arith.constant 0 : i32
    %get3A_22 = arith.index_cast %get3A : i32 to index
    %get3A_23 = arith.constant 0 : index
    %get3A_24 = tpu.vector_load %arg8[%get3A_22, %get3A_23] {strides = array<i32>} : memref<16x16xf32, #tpu.memory_space<vmem>>, vector<16xf32>,
    %lt3A = arith.constant 10 : i32
    %lt3A_25 = vector.broadcast %lt3A : i32 to vector<16xi32>
    %lt3A_26 = arith.cmpi slt, %iota3A, %lt3A_25 : vector<16xi32>
    %jit3A = arith.constant 3.000000e+38 : f32
    %broadcast_in_dim3A_27 = vector.broadcast %jit3A : f32 to vector<16xf32>
    %select_n3A = arith.select %lt3A_26, %get3A_24, %broadcast_in_dim3A_27 : vector<16xi1>, vector<16xf32>
    %reduce_min3A = arith.constant true
    %reduce_min3A_28 = vector.broadcast %reduce_min3A : i1 to vector<16xi1>
    %reduce_min3A_29 = tpu.scan <min>, %select_n3A masked %reduce_min3A_28 : vector<16xf32>, vector<16xi1> -> vector<16xf32>
    %reduce_min3A_30 = vector.extract %reduce_min3A_29[15] : f32 from vector<16xf32>
    %eq3A = vector.broadcast %reduce_min3A_30 : f32 to vector<16xf32>
    %eq3A_31 = arith.cmpf oeq, %select_n3A, %eq3A : vector<16xf32>
    %all_reduce_ffs3A = tpu.all_reduce %eq3A_31 {dim = 0 : i64, kind = #tpu.reduction_kind<find_first_set>} : vector<16xi1> -> vector<16xi32>
    %eq3A_32 = arith.constant 0 : i32
    %eq3A_33 = vector.broadcast %eq3A_32 : i32 to vector<16xi32>
    %eq3A_34 = arith.cmpi eq, %iota3A, %eq3A_33 : vector<16xi32>
    %select_n3A_35 = arith.select %eq3A_34, %all_reduce_ffs3A, %broadcast_in_dim3A_21 : vector<16xi1>, vector<16xi32>
    %get3A_36 = arith.constant 1 : i32
    %get3A_37 = arith.index_cast %get3A_36 : i32 to index
    %get3A_38 = arith.constant 0 : index
    %get3A_39 = tpu.vector_load %arg8[%get3A_37, %get3A_38] {strides = array<i32>} : memref<16x16xf32, #tpu.memory_space<vmem>>, vector<16xf32>,
    %lt3A_40 = arith.constant 10 : i32
    %lt3A_41 = vector.broadcast %lt3A_40 : i32 to vector<16xi32>
    %lt3A_42 = arith.cmpi slt, %iota3A, %lt3A_41 : vector<16xi32>
    %jit3A_43 = arith.constant 3.000000e+38 : f32
    %broadcast_in_dim3A_44 = vector.broadcast %jit3A_43 : f32 to vector<16xf32>
    %select_n3A_45 = arith.select %lt3A_42, %get3A_39, %broadcast_in_dim3A_44 : vector<16xi1>, vector<16xf32>
    %reduce_min3A_46 = arith.constant true
    %reduce_min3A_47 = vector.broadcast %reduce_min3A_46 : i1 to vector<16xi1>
    %reduce_min3A_48 = tpu.scan <min>, %select_n3A_45 masked %reduce_min3A_47 : vector<16xf32>, vector<16xi1> -> vector<16xf32>
    %reduce_min3A_49 = vector.extract %reduce_min3A_48[15] : f32 from vector<16xf32>
    %eq3A_50 = vector.broadcast %reduce_min3A_49 : f32 to vector<16xf32>
    %eq3A_51 = arith.cmpf oeq, %select_n3A_45, %eq3A_50 : vector<16xf32>
    %all_reduce_ffs3A_52 = tpu.all_reduce %eq3A_51 {dim = 0 : i64, kind = #tpu.reduction_kind<find_first_set>} : vector<16xi1> -> vector<16xi32>
    %eq3A_53 = arith.constant 1 : i32
    %eq3A_54 = vector.broadcast %eq3A_53 : i32 to vector<16xi32>
    %eq3A_55 = arith.cmpi eq, %iota3A, %eq3A_54 : vector<16xi32>
    %select_n3A_56 = arith.select %eq3A_55, %all_reduce_ffs3A_52, %select_n3A_35 : vector<16xi1>, vector<16xi32>
    %get3A_57 = arith.constant 2 : i32
    %get3A_58 = arith.index_cast %get3A_57 : i32 to index
    %get3A_59 = arith.constant 0 : index
    %get3A_60 = tpu.vector_load %arg8[%get3A_58, %get3A_59] {strides = array<i32>} : memref<16x16xf32, #tpu.memory_space<vmem>>, vector<16xf32>,
    %lt3A_61 = arith.constant 10 : i32
    %lt3A_62 = vector.broadcast %lt3A_61 : i32 to vector<16xi32>
    %lt3A_63 = arith.cmpi slt, %iota3A, %lt3A_62 : vector<16xi32>
    %jit3A_64 = arith.constant 3.000000e+38 : f32
    %broadcast_in_dim3A_65 = vector.broadcast %jit3A_64 : f32 to vector<16xf32>
    %select_n3A_66 = arith.select %lt3A_63, %get3A_60, %broadcast_in_dim3A_65 : vector<16xi1>, vector<16xf32>
    %reduce_min3A_67 = arith.constant true
    %reduce_min3A_68 = vector.broadcast %reduce_min3A_67 : i1 to vector<16xi1>
    %reduce_min3A_69 = tpu.scan <min>, %select_n3A_66 masked %reduce_min3A_68 : vector<16xf32>, vector<16xi1> -> vector<16xf32>
    %reduce_min3A_70 = vector.extract %reduce_min3A_69[15] : f32 from vector<16xf32>
    %eq3A_71 = vector.broadcast %reduce_min3A_70 : f32 to vector<16xf32>
    %eq3A_72 = arith.cmpf oeq, %select_n3A_66, %eq3A_71 : vector<16xf32>
    %all_reduce_ffs3A_73 = tpu.all_reduce %eq3A_72 {dim = 0 : i64, kind = #tpu.reduction_kind<find_first_set>} : vector<16xi1> -> vector<16xi32>
    %eq3A_74 = arith.constant 2 : i32
    %eq3A_75 = vector.broadcast %eq3A_74 : i32 to vector<16xi32>
    %eq3A_76 = arith.cmpi eq, %iota3A, %eq3A_75 : vector<16xi32>
    %select_n3A_77 = arith.select %eq3A_76, %all_reduce_ffs3A_73, %select_n3A_56 : vector<16xi1>, vector<16xi32>
    %get3A_78 = arith.constant 3 : i32
    %get3A_79 = arith.index_cast %get3A_78 : i32 to index
    %get3A_80 = arith.constant 0 : index
    %get3A_81 = tpu.vector_load %arg8[%get3A_79, %get3A_80] {strides = array<i32>} : memref<16x16xf32, #tpu.memory_space<vmem>>, vector<16xf32>,
    %lt3A_82 = arith.constant 10 : i32
    %lt3A_83 = vector.broadcast %lt3A_82 : i32 to vector<16xi32>
    %lt3A_84 = arith.cmpi slt, %iota3A, %lt3A_83 : vector<16xi32>
    %jit3A_85 = arith.constant 3.000000e+38 : f32
    %broadcast_in_dim3A_86 = vector.broadcast %jit3A_85 : f32 to vector<16xf32>
    %select_n3A_87 = arith.select %lt3A_84, %get3A_81, %broadcast_in_dim3A_86 : vector<16xi1>, vector<16xf32>
    %reduce_min3A_88 = arith.constant true
    %reduce_min3A_89 = vector.broadcast %reduce_min3A_88 : i1 to vector<16xi1>
    %reduce_min3A_90 = tpu.scan <min>, %select_n3A_87 masked %reduce_min3A_89 : vector<16xf32>, vector<16xi1> -> vector<16xf32>
    %reduce_min3A_91 = vector.extract %reduce_min3A_90[15] : f32 from vector<16xf32>
    %eq3A_92 = vector.broadcast %reduce_min3A_91 : f32 to vector<16xf32>
    %eq3A_93 = arith.cmpf oeq, %select_n3A_87, %eq3A_92 : vector<16xf32>
    %all_reduce_ffs3A_94 = tpu.all_reduce %eq3A_93 {dim = 0 : i64, kind = #tpu.reduction_kind<find_first_set>} : vector<16xi1> -> vector<16xi32>
    %eq3A_95 = arith.constant 3 : i32
    %eq3A_96 = vector.broadcast %eq3A_95 : i32 to vector<16xi32>
    %eq3A_97 = arith.cmpi eq, %iota3A, %eq3A_96 : vector<16xi32>
    %select_n3A_98 = arith.select %eq3A_97, %all_reduce_ffs3A_94, %select_n3A_77 : vector<16xi1>, vector<16xi32>
    %get3A_99 = arith.constant 4 : i32
    %get3A_100 = arith.index_cast %get3A_99 : i32 to index
    %get3A_101 = arith.constant 0 : index
    %get3A_102 = tpu.vector_load %arg8[%get3A_100, %get3A_101] {strides = array<i32>} : memref<16x16xf32, #tpu.memory_space<vmem>>, vector<16xf32>,
    %lt3A_103 = arith.constant 10 : i32
    %lt3A_104 = vector.broadcast %lt3A_103 : i32 to vector<16xi32>
    %lt3A_105 = arith.cmpi slt, %iota3A, %lt3A_104 : vector<16xi32>
    %jit3A_106 = arith.constant 3.000000e+38 : f32
    %broadcast_in_dim3A_107 = vector.broadcast %jit3A_106 : f32 to vector<16xf32>
    %select_n3A_108 = arith.select %lt3A_105, %get3A_102, %broadcast_in_dim3A_107 : vector<16xi1>, vector<16xf32>
    %reduce_min3A_109 = arith.constant true
    %reduce_min3A_110 = vector.broadcast %reduce_min3A_109 : i1 to vector<16xi1>
    %reduce_min3A_111 = tpu.scan <min>, %select_n3A_108 masked %reduce_min3A_110 : vector<16xf32>, vector<16xi1> -> vector<16xf32>
    %reduce_min3A_112 = vector.extract %reduce_min3A_111[15] : f32 from vector<16xf32>
    %eq3A_113 = vector.broadcast %reduce_min3A_112 : f32 to vector<16xf32>
    %eq3A_114 = arith.cmpf oeq, %select_n3A_108, %eq3A_113 : vector<16xf32>
    %all_reduce_ffs3A_115 = tpu.all_reduce %eq3A_114 {dim = 0 : i64, kind = #tpu.reduction_kind<find_first_set>} : vector<16xi1> -> vector<16xi32>
    %eq3A_116 = arith.constant 4 : i32
    %eq3A_117 = vector.broadcast %eq3A_116 : i32 to vector<16xi32>
    %eq3A_118 = arith.cmpi eq, %iota3A, %eq3A_117 : vector<16xi32>
    %select_n3A_119 = arith.select %eq3A_118, %all_reduce_ffs3A_115, %select_n3A_98 : vector<16xi1>, vector<16xi32>
    %get3A_120 = arith.constant 5 : i32
    %get3A_121 = arith.index_cast %get3A_120 : i32 to index
    %get3A_122 = arith.constant 0 : index
    %get3A_123 = tpu.vector_load %arg8[%get3A_121, %get3A_122] {strides = array<i32>} : memref<16x16xf32, #tpu.memory_space<vmem>>, vector<16xf32>,
    %lt3A_124 = arith.constant 10 : i32
    %lt3A_125 = vector.broadcast %lt3A_124 : i32 to vector<16xi32>
    %lt3A_126 = arith.cmpi slt, %iota3A, %lt3A_125 : vector<16xi32>
    %jit3A_127 = arith.constant 3.000000e+38 : f32
    %broadcast_in_dim3A_128 = vector.broadcast %jit3A_127 : f32 to vector<16xf32>
    %select_n3A_129 = arith.select %lt3A_126, %get3A_123, %broadcast_in_dim3A_128 : vector<16xi1>, vector<16xf32>
    %reduce_min3A_130 = arith.constant true
    %reduce_min3A_131 = vector.broadcast %reduce_min3A_130 : i1 to vector<16xi1>
    %reduce_min3A_132 = tpu.scan <min>, %select_n3A_129 masked %reduce_min3A_131 : vector<16xf32>, vector<16xi1> -> vector<16xf32>
    %reduce_min3A_133 = vector.extract %reduce_min3A_132[15] : f32 from vector<16xf32>
    %eq3A_134 = vector.broadcast %reduce_min3A_133 : f32 to vector<16xf32>
    %eq3A_135 = arith.cmpf oeq, %select_n3A_129, %eq3A_134 : vector<16xf32>
    %all_reduce_ffs3A_136 = tpu.all_reduce %eq3A_135 {dim = 0 : i64, kind = #tpu.reduction_kind<find_first_set>} : vector<16xi1> -> vector<16xi32>
    %eq3A_137 = arith.constant 5 : i32
    %eq3A_138 = vector.broadcast %eq3A_137 : i32 to vector<16xi32>
    %eq3A_139 = arith.cmpi eq, %iota3A, %eq3A_138 : vector<16xi32>
    %select_n3A_140 = arith.select %eq3A_139, %all_reduce_ffs3A_136, %select_n3A_119 : vector<16xi1>, vector<16xi32>
    %get3A_141 = arith.constant 6 : i32
    %get3A_142 = arith.index_cast %get3A_141 : i32 to index
    %get3A_143 = arith.constant 0 : index
    %get3A_144 = tpu.vector_load %arg8[%get3A_142, %get3A_143] {strides = array<i32>} : memref<16x16xf32, #tpu.memory_space<vmem>>, vector<16xf32>,
    %lt3A_145 = arith.constant 10 : i32
    %lt3A_146 = vector.broadcast %lt3A_145 : i32 to vector<16xi32>
    %lt3A_147 = arith.cmpi slt, %iota3A, %lt3A_146 : vector<16xi32>
    %jit3A_148 = arith.constant 3.000000e+38 : f32
    %broadcast_in_dim3A_149 = vector.broadcast %jit3A_148 : f32 to vector<16xf32>
    %select_n3A_150 = arith.select %lt3A_147, %get3A_144, %broadcast_in_dim3A_149 : vector<16xi1>, vector<16xf32>
    %reduce_min3A_151 = arith.constant true
    %reduce_min3A_152 = vector.broadcast %reduce_min3A_151 : i1 to vector<16xi1>
    %reduce_min3A_153 = tpu.scan <min>, %select_n3A_150 masked %reduce_min3A_152 : vector<16xf32>, vector<16xi1> -> vector<16xf32>
    %reduce_min3A_154 = vector.extract %reduce_min3A_153[15] : f32 from vector<16xf32>
    %eq3A_155 = vector.broadcast %reduce_min3A_154 : f32 to vector<16xf32>
    %eq3A_156 = arith.cmpf oeq, %select_n3A_150, %eq3A_155 : vector<16xf32>
    %all_reduce_ffs3A_157 = tpu.all_reduce %eq3A_156 {dim = 0 : i64, kind = #tpu.reduction_kind<find_first_set>} : vector<16xi1> -> vector<16xi32>
    %eq3A_158 = arith.constant 6 : i32
    %eq3A_159 = vector.broadcast %eq3A_158 : i32 to vector<16xi32>
    %eq3A_160 = arith.cmpi eq, %iota3A, %eq3A_159 : vector<16xi32>
    %select_n3A_161 = arith.select %eq3A_160, %all_reduce_ffs3A_157, %select_n3A_140 : vector<16xi1>, vector<16xi32>
    %get3A_162 = arith.constant 7 : i32
    %get3A_163 = arith.index_cast %get3A_162 : i32 to index
    %get3A_164 = arith.constant 0 : index
    %get3A_165 = tpu.vector_load %arg8[%get3A_163, %get3A_164] {strides = array<i32>} : memref<16x16xf32, #tpu.memory_space<vmem>>, vector<16xf32>,
    %lt3A_166 = arith.constant 10 : i32
    %lt3A_167 = vector.broadcast %lt3A_166 : i32 to vector<16xi32>
    %lt3A_168 = arith.cmpi slt, %iota3A, %lt3A_167 : vector<16xi32>
    %jit3A_169 = arith.constant 3.000000e+38 : f32
    %broadcast_in_dim3A_170 = vector.broadcast %jit3A_169 : f32 to vector<16xf32>
    %select_n3A_171 = arith.select %lt3A_168, %get3A_165, %broadcast_in_dim3A_170 : vector<16xi1>, vector<16xf32>
    %reduce_min3A_172 = arith.constant true
    %reduce_min3A_173 = vector.broadcast %reduce_min3A_172 : i1 to vector<16xi1>
    %reduce_min3A_174 = tpu.scan <min>, %select_n3A_171 masked %reduce_min3A_173 : vector<16xf32>, vector<16xi1> -> vector<16xf32>
    %reduce_min3A_175 = vector.extract %reduce_min3A_174[15] : f32 from vector<16xf32>
    %eq3A_176 = vector.broadcast %reduce_min3A_175 : f32 to vector<16xf32>
    %eq3A_177 = arith.cmpf oeq, %select_n3A_171, %eq3A_176 : vector<16xf32>
    %all_reduce_ffs3A_178 = tpu.all_reduce %eq3A_177 {dim = 0 : i64, kind = #tpu.reduction_kind<find_first_set>} : vector<16xi1> -> vector<16xi32>
    %eq3A_179 = arith.constant 7 : i32
    %eq3A_180 = vector.broadcast %eq3A_179 : i32 to vector<16xi32>
    %eq3A_181 = arith.cmpi eq, %iota3A, %eq3A_180 : vector<16xi32>
    %select_n3A_182 = arith.select %eq3A_181, %all_reduce_ffs3A_178, %select_n3A_161 : vector<16xi1>, vector<16xi32>
    %get3A_183 = arith.constant 8 : i32
    %get3A_184 = arith.index_cast %get3A_183 : i32 to index
    %get3A_185 = arith.constant 0 : index
    %get3A_186 = tpu.vector_load %arg8[%get3A_184, %get3A_185] {strides = array<i32>} : memref<16x16xf32, #tpu.memory_space<vmem>>, vector<16xf32>,
    %lt3A_187 = arith.constant 10 : i32
    %lt3A_188 = vector.broadcast %lt3A_187 : i32 to vector<16xi32>
    %lt3A_189 = arith.cmpi slt, %iota3A, %lt3A_188 : vector<16xi32>
    %jit3A_190 = arith.constant 3.000000e+38 : f32
    %broadcast_in_dim3A_191 = vector.broadcast %jit3A_190 : f32 to vector<16xf32>
    %select_n3A_192 = arith.select %lt3A_189, %get3A_186, %broadcast_in_dim3A_191 : vector<16xi1>, vector<16xf32>
    %reduce_min3A_193 = arith.constant true
    %reduce_min3A_194 = vector.broadcast %reduce_min3A_193 : i1 to vector<16xi1>
    %reduce_min3A_195 = tpu.scan <min>, %select_n3A_192 masked %reduce_min3A_194 : vector<16xf32>, vector<16xi1> -> vector<16xf32>
    %reduce_min3A_196 = vector.extract %reduce_min3A_195[15] : f32 from vector<16xf32>
    %eq3A_197 = vector.broadcast %reduce_min3A_196 : f32 to vector<16xf32>
    %eq3A_198 = arith.cmpf oeq, %select_n3A_192, %eq3A_197 : vector<16xf32>
    %all_reduce_ffs3A_199 = tpu.all_reduce %eq3A_198 {dim = 0 : i64, kind = #tpu.reduction_kind<find_first_set>} : vector<16xi1> -> vector<16xi32>
    %eq3A_200 = arith.constant 8 : i32
    %eq3A_201 = vector.broadcast %eq3A_200 : i32 to vector<16xi32>
    %eq3A_202 = arith.cmpi eq, %iota3A, %eq3A_201 : vector<16xi32>
    %select_n3A_203 = arith.select %eq3A_202, %all_reduce_ffs3A_199, %select_n3A_182 : vector<16xi1>, vector<16xi32>
    %get3A_204 = arith.constant 9 : i32
    %get3A_205 = arith.index_cast %get3A_204 : i32 to index
    %get3A_206 = arith.constant 0 : index
    %get3A_207 = tpu.vector_load %arg8[%get3A_205, %get3A_206] {strides = array<i32>} : memref<16x16xf32, #tpu.memory_space<vmem>>, vector<16xf32>,
    %lt3A_208 = arith.constant 10 : i32
    %lt3A_209 = vector.broadcast %lt3A_208 : i32 to vector<16xi32>
    %lt3A_210 = arith.cmpi slt, %iota3A, %lt3A_209 : vector<16xi32>
    %jit3A_211 = arith.constant 3.000000e+38 : f32
    %broadcast_in_dim3A_212 = vector.broadcast %jit3A_211 : f32 to vector<16xf32>
    %select_n3A_213 = arith.select %lt3A_210, %get3A_207, %broadcast_in_dim3A_212 : vector<16xi1>, vector<16xf32>
    %reduce_min3A_214 = arith.constant true
    %reduce_min3A_215 = vector.broadcast %reduce_min3A_214 : i1 to vector<16xi1>
    %reduce_min3A_216 = tpu.scan <min>, %select_n3A_213 masked %reduce_min3A_215 : vector<16xf32>, vector<16xi1> -> vector<16xf32>
    %reduce_min3A_217 = vector.extract %reduce_min3A_216[15] : f32 from vector<16xf32>
    %eq3A_218 = vector.broadcast %reduce_min3A_217 : f32 to vector<16xf32>
    %eq3A_219 = arith.cmpf oeq, %select_n3A_213, %eq3A_218 : vector<16xf32>
    %all_reduce_ffs3A_220 = tpu.all_reduce %eq3A_219 {dim = 0 : i64, kind = #tpu.reduction_kind<find_first_set>} : vector<16xi1> -> vector<16xi32>
    %eq3A_221 = arith.constant 9 : i32
    %eq3A_222 = vector.broadcast %eq3A_221 : i32 to vector<16xi32>
    %eq3A_223 = arith.cmpi eq, %iota3A, %eq3A_222 : vector<16xi32>
    %select_n3A_224 = arith.select %eq3A_223, %all_reduce_ffs3A_220, %select_n3A_203 : vector<16xi1>, vector<16xi32>
    %get3A_225 = arith.constant 10 : i32
    %get3A_226 = arith.index_cast %get3A_225 : i32 to index
    %get3A_227 = arith.constant 0 : index
    %get3A_228 = tpu.vector_load %arg8[%get3A_226, %get3A_227] {strides = array<i32>} : memref<16x16xf32, #tpu.memory_space<vmem>>, vector<16xf32>,
    %lt3A_229 = arith.constant 10 : i32
    %lt3A_230 = vector.broadcast %lt3A_229 : i32 to vector<16xi32>
    %lt3A_231 = arith.cmpi slt, %iota3A, %lt3A_230 : vector<16xi32>
    %jit3A_232 = arith.constant 3.000000e+38 : f32
    %broadcast_in_dim3A_233 = vector.broadcast %jit3A_232 : f32 to vector<16xf32>
    %select_n3A_234 = arith.select %lt3A_231, %get3A_228, %broadcast_in_dim3A_233 : vector<16xi1>, vector<16xf32>
    %reduce_min3A_235 = arith.constant true
    %reduce_min3A_236 = vector.broadcast %reduce_min3A_235 : i1 to vector<16xi1>
    %reduce_min3A_237 = tpu.scan <min>, %select_n3A_234 masked %reduce_min3A_236 : vector<16xf32>, vector<16xi1> -> vector<16xf32>
    %reduce_min3A_238 = vector.extract %reduce_min3A_237[15] : f32 from vector<16xf32>
    %eq3A_239 = vector.broadcast %reduce_min3A_238 : f32 to vector<16xf32>
    %eq3A_240 = arith.cmpf oeq, %select_n3A_234, %eq3A_239 : vector<16xf32>
    %all_reduce_ffs3A_241 = tpu.all_reduce %eq3A_240 {dim = 0 : i64, kind = #tpu.reduction_kind<find_first_set>} : vector<16xi1> -> vector<16xi32>
    %eq3A_242 = arith.constant 10 : i32
    %eq3A_243 = vector.broadcast %eq3A_242 : i32 to vector<16xi32>
    %eq3A_244 = arith.cmpi eq, %iota3A, %eq3A_243 : vector<16xi32>
    %select_n3A_245 = arith.select %eq3A_244, %all_reduce_ffs3A_241, %select_n3A_224 : vector<16xi1>, vector<16xi32>
    %get3A_246 = arith.constant 11 : i32
    %get3A_247 = arith.index_cast %get3A_246 : i32 to index
    %get3A_248 = arith.constant 0 : index
    %get3A_249 = tpu.vector_load %arg8[%get3A_247, %get3A_248] {strides = array<i32>} : memref<16x16xf32, #tpu.memory_space<vmem>>, vector<16xf32>,
    %lt3A_250 = arith.constant 10 : i32
    %lt3A_251 = vector.broadcast %lt3A_250 : i32 to vector<16xi32>
    %lt3A_252 = arith.cmpi slt, %iota3A, %lt3A_251 : vector<16xi32>
    %jit3A_253 = arith.constant 3.000000e+38 : f32
    %broadcast_in_dim3A_254 = vector.broadcast %jit3A_253 : f32 to vector<16xf32>
    %select_n3A_255 = arith.select %lt3A_252, %get3A_249, %broadcast_in_dim3A_254 : vector<16xi1>, vector<16xf32>
    %reduce_min3A_256 = arith.constant true
    %reduce_min3A_257 = vector.broadcast %reduce_min3A_256 : i1 to vector<16xi1>
    %reduce_min3A_258 = tpu.scan <min>, %select_n3A_255 masked %reduce_min3A_257 : vector<16xf32>, vector<16xi1> -> vector<16xf32>
    %reduce_min3A_259 = vector.extract %reduce_min3A_258[15] : f32 from vector<16xf32>
    %eq3A_260 = vector.broadcast %reduce_min3A_259 : f32 to vector<16xf32>
    %eq3A_261 = arith.cmpf oeq, %select_n3A_255, %eq3A_260 : vector<16xf32>
    %all_reduce_ffs3A_262 = tpu.all_reduce %eq3A_261 {dim = 0 : i64, kind = #tpu.reduction_kind<find_first_set>} : vector<16xi1> -> vector<16xi32>
    %eq3A_263 = arith.constant 11 : i32
    %eq3A_264 = vector.broadcast %eq3A_263 : i32 to vector<16xi32>
    %eq3A_265 = arith.cmpi eq, %iota3A, %eq3A_264 : vector<16xi32>
    %select_n3A_266 = arith.select %eq3A_265, %all_reduce_ffs3A_262, %select_n3A_245 : vector<16xi1>, vector<16xi32>
    %get3A_267 = arith.constant 12 : i32
    %get3A_268 = arith.index_cast %get3A_267 : i32 to index
    %get3A_269 = arith.constant 0 : index
    %get3A_270 = tpu.vector_load %arg8[%get3A_268, %get3A_269] {strides = array<i32>} : memref<16x16xf32, #tpu.memory_space<vmem>>, vector<16xf32>,
    %lt3A_271 = arith.constant 10 : i32
    %lt3A_272 = vector.broadcast %lt3A_271 : i32 to vector<16xi32>
    %lt3A_273 = arith.cmpi slt, %iota3A, %lt3A_272 : vector<16xi32>
    %jit3A_274 = arith.constant 3.000000e+38 : f32
    %broadcast_in_dim3A_275 = vector.broadcast %jit3A_274 : f32 to vector<16xf32>
    %select_n3A_276 = arith.select %lt3A_273, %get3A_270, %broadcast_in_dim3A_275 : vector<16xi1>, vector<16xf32>
    %reduce_min3A_277 = arith.constant true
    %reduce_min3A_278 = vector.broadcast %reduce_min3A_277 : i1 to vector<16xi1>
    %reduce_min3A_279 = tpu.scan <min>, %select_n3A_276 masked %reduce_min3A_278 : vector<16xf32>, vector<16xi1> -> vector<16xf32>
    %reduce_min3A_280 = vector.extract %reduce_min3A_279[15] : f32 from vector<16xf32>
    %eq3A_281 = vector.broadcast %reduce_min3A_280 : f32 to vector<16xf32>
    %eq3A_282 = arith.cmpf oeq, %select_n3A_276, %eq3A_281 : vector<16xf32>
    %all_reduce_ffs3A_283 = tpu.all_reduce %eq3A_282 {dim = 0 : i64, kind = #tpu.reduction_kind<find_first_set>} : vector<16xi1> -> vector<16xi32>
    %eq3A_284 = arith.constant 12 : i32
    %eq3A_285 = vector.broadcast %eq3A_284 : i32 to vector<16xi32>
    %eq3A_286 = arith.cmpi eq, %iota3A, %eq3A_285 : vector<16xi32>
    %select_n3A_287 = arith.select %eq3A_286, %all_reduce_ffs3A_283, %select_n3A_266 : vector<16xi1>, vector<16xi32>
    %get3A_288 = arith.constant 13 : i32
    %get3A_289 = arith.index_cast %get3A_288 : i32 to index
    %get3A_290 = arith.constant 0 : index
    %get3A_291 = tpu.vector_load %arg8[%get3A_289, %get3A_290] {strides = array<i32>} : memref<16x16xf32, #tpu.memory_space<vmem>>, vector<16xf32>,
    %lt3A_292 = arith.constant 10 : i32
    %lt3A_293 = vector.broadcast %lt3A_292 : i32 to vector<16xi32>
    %lt3A_294 = arith.cmpi slt, %iota3A, %lt3A_293 : vector<16xi32>
    %jit3A_295 = arith.constant 3.000000e+38 : f32
    %broadcast_in_dim3A_296 = vector.broadcast %jit3A_295 : f32 to vector<16xf32>
    %select_n3A_297 = arith.select %lt3A_294, %get3A_291, %broadcast_in_dim3A_296 : vector<16xi1>, vector<16xf32>
    %reduce_min3A_298 = arith.constant true
    %reduce_min3A_299 = vector.broadcast %reduce_min3A_298 : i1 to vector<16xi1>
    %reduce_min3A_300 = tpu.scan <min>, %select_n3A_297 masked %reduce_min3A_299 : vector<16xf32>, vector<16xi1> -> vector<16xf32>
    %reduce_min3A_301 = vector.extract %reduce_min3A_300[15] : f32 from vector<16xf32>
    %eq3A_302 = vector.broadcast %reduce_min3A_301 : f32 to vector<16xf32>
    %eq3A_303 = arith.cmpf oeq, %select_n3A_297, %eq3A_302 : vector<16xf32>
    %all_reduce_ffs3A_304 = tpu.all_reduce %eq3A_303 {dim = 0 : i64, kind = #tpu.reduction_kind<find_first_set>} : vector<16xi1> -> vector<16xi32>
    %eq3A_305 = arith.constant 13 : i32
    %eq3A_306 = vector.broadcast %eq3A_305 : i32 to vector<16xi32>
    %eq3A_307 = arith.cmpi eq, %iota3A, %eq3A_306 : vector<16xi32>
    %select_n3A_308 = arith.select %eq3A_307, %all_reduce_ffs3A_304, %select_n3A_287 : vector<16xi1>, vector<16xi32>
    %get3A_309 = arith.constant 14 : i32
    %get3A_310 = arith.index_cast %get3A_309 : i32 to index
    %get3A_311 = arith.constant 0 : index
    %get3A_312 = tpu.vector_load %arg8[%get3A_310, %get3A_311] {strides = array<i32>} : memref<16x16xf32, #tpu.memory_space<vmem>>, vector<16xf32>,
    %lt3A_313 = arith.constant 10 : i32
    %lt3A_314 = vector.broadcast %lt3A_313 : i32 to vector<16xi32>
    %lt3A_315 = arith.cmpi slt, %iota3A, %lt3A_314 : vector<16xi32>
    %jit3A_316 = arith.constant 3.000000e+38 : f32
    %broadcast_in_dim3A_317 = vector.broadcast %jit3A_316 : f32 to vector<16xf32>
    %select_n3A_318 = arith.select %lt3A_315, %get3A_312, %broadcast_in_dim3A_317 : vector<16xi1>, vector<16xf32>
    %reduce_min3A_319 = arith.constant true
    %reduce_min3A_320 = vector.broadcast %reduce_min3A_319 : i1 to vector<16xi1>
    %reduce_min3A_321 = tpu.scan <min>, %select_n3A_318 masked %reduce_min3A_320 : vector<16xf32>, vector<16xi1> -> vector<16xf32>
    %reduce_min3A_322 = vector.extract %reduce_min3A_321[15] : f32 from vector<16xf32>
    %eq3A_323 = vector.broadcast %reduce_min3A_322 : f32 to vector<16xf32>
    %eq3A_324 = arith.cmpf oeq, %select_n3A_318, %eq3A_323 : vector<16xf32>
    %all_reduce_ffs3A_325 = tpu.all_reduce %eq3A_324 {dim = 0 : i64, kind = #tpu.reduction_kind<find_first_set>} : vector<16xi1> -> vector<16xi32>
    %eq3A_326 = arith.constant 14 : i32
    %eq3A_327 = vector.broadcast %eq3A_326 : i32 to vector<16xi32>
    %eq3A_328 = arith.cmpi eq, %iota3A, %eq3A_327 : vector<16xi32>
    %select_n3A_329 = arith.select %eq3A_328, %all_reduce_ffs3A_325, %select_n3A_308 : vector<16xi1>, vector<16xi32>
    %get3A_330 = arith.constant 15 : i32
    %get3A_331 = arith.index_cast %get3A_330 : i32 to index
    %get3A_332 = arith.constant 0 : index
    %get3A_333 = tpu.vector_load %arg8[%get3A_331, %get3A_332] {strides = array<i32>} : memref<16x16xf32, #tpu.memory_space<vmem>>, vector<16xf32>,
    %lt3A_334 = arith.constant 10 : i32
    %lt3A_335 = vector.broadcast %lt3A_334 : i32 to vector<16xi32>
    %lt3A_336 = arith.cmpi slt, %iota3A, %lt3A_335 : vector<16xi32>
    %jit3A_337 = arith.constant 3.000000e+38 : f32
    %broadcast_in_dim3A_338 = vector.broadcast %jit3A_337 : f32 to vector<16xf32>
    %select_n3A_339 = arith.select %lt3A_336, %get3A_333, %broadcast_in_dim3A_338 : vector<16xi1>, vector<16xf32>
    %reduce_min3A_340 = arith.constant true
    %reduce_min3A_341 = vector.broadcast %reduce_min3A_340 : i1 to vector<16xi1>
    %reduce_min3A_342 = tpu.scan <min>, %select_n3A_339 masked %reduce_min3A_341 : vector<16xf32>, vector<16xi1> -> vector<16xf32>
    %reduce_min3A_343 = vector.extract %reduce_min3A_342[15] : f32 from vector<16xf32>
    %eq3A_344 = vector.broadcast %reduce_min3A_343 : f32 to vector<16xf32>
    %eq3A_345 = arith.cmpf oeq, %select_n3A_339, %eq3A_344 : vector<16xf32>
    %all_reduce_ffs3A_346 = tpu.all_reduce %eq3A_345 {dim = 0 : i64, kind = #tpu.reduction_kind<find_first_set>} : vector<16xi1> -> vector<16xi32>
    %eq3A_347 = arith.constant 15 : i32
    %eq3A_348 = vector.broadcast %eq3A_347 : i32 to vector<16xi32>
    %eq3A_349 = arith.cmpi eq, %iota3A, %eq3A_348 : vector<16xi32>
    %select_n3A_350 = arith.select %eq3A_349, %all_reduce_ffs3A_346, %select_n3A_329 : vector<16xi1>, vector<16xi32>
    %broadcast_in_dim3A_351 = arith.constant 0 : i32
    %broadcast_in_dim3A_352 = vector.broadcast %broadcast_in_dim3A_351 : i32 to vector<16xi32>
    %gather3A = tpu.vector_load_idx %arg9[%iota3A, %broadcast_in_dim3A_352] : memref<16x16xi32, #tpu.memory_space<vmem>>[vector<16xi32>, vector<16xi32>], vector<16xi32>,
    %broadcast_in_dim3A_353 = arith.constant 1 : i32
    %broadcast_in_dim3A_354 = vector.broadcast %broadcast_in_dim3A_353 : i32 to vector<16xi32>
    %gather3A_355 = tpu.vector_load_idx %arg9[%iota3A, %broadcast_in_dim3A_354] : memref<16x16xi32, #tpu.memory_space<vmem>>[vector<16xi32>, vector<16xi32>], vector<16xi32>,
    %broadcast_in_dim3A_356 = arith.constant 10 : i32
    %broadcast_in_dim3A_357 = vector.broadcast %broadcast_in_dim3A_356 : i32 to vector<16xi32>
    %gather3A_358 = tpu.vector_load_idx %arg8[%iota3A, %broadcast_in_dim3A_357] : memref<16x16xf32, #tpu.memory_space<vmem>>[vector<16xi32>, vector<16xi32>], vector<16xf32>,
    %ge3A = arith.cmpi sge, %select_n3A_350, %gather3A : vector<16xi32>
    %select_n3A_359 = arith.select %ge3A, %gather3A_355, %broadcast_in_dim3A_352 : vector<16xi1>, vector<16xi32>
    %add3A_360 = arith.addi %select_n3A_350, %select_n3A_359 : vector<16xi32>
    %gather3A_361 = tpu.vector_load_idx %arg10[%add3A_360] : memref<256xi32, #tpu.memory_space<vmem>>[vector<16xi32>], vector<16xi32>,
    %dma_wait3A_362 = arith.constant 0 : i32
    %dma_wait3A_363 = tpu.memref_slice %arg2[%mul3A_2, %dma_wait3A_362] : memref<256x256xf32, #tpu.memory_space<hbm>> -> memref<16x256xf32, #tpu.memory_space<hbm>>
    %dma_wait3A_364 = arith.constant 0 : i32
    %dma_wait3A_365 = tpu.memref_slice %arg2[%mul3A_2, %dma_wait3A_364] : memref<256x256xf32, #tpu.memory_space<hbm>> -> memref<16x256xf32, #tpu.memory_space<hbm>>
    tpu.wait_dma2 semaphore(%arg12 : memref<!tpu.dma_semaphore, #tpu.memory_space<semaphore_mem>>) src(%dma_wait3A_365 : memref<16x256xf32, #tpu.memory_space<hbm>>) dst(%arg7 : memref<16x256xf32, #tpu.memory_space<vmem>>)
    %gather3A_366 = tpu.vector_load_idx %arg7[%iota3A, %gather3A_361] : memref<16x256xf32, #tpu.memory_space<vmem>>[vector<16xi32>, vector<16xi32>], vector<16xf32>,
    %sub3A = arith.subf %gather3A_358, %gather3A_366 : vector<16xf32>
    %add3A_367 = arith.constant 1.000000e+00 : f32
    %add3A_368 = vector.broadcast %add3A_367 : f32 to vector<16xf32>
    %add3A_369 = arith.addf %sub3A, %add3A_368 : vector<16xf32>
    %max3A = arith.constant 0.000000e+00 : f32
    %max3A_370 = vector.broadcast %max3A : f32 to vector<16xf32>
    %max3A_371 = arith.maximumf %add3A_369, %max3A_370 : vector<16xf32>
    %swap3A = arith.constant 0 : index
    %swap3A_372 = tpu.vector_load %arg11[%swap3A] {strides = array<i32>} : memref<16xf32, #tpu.memory_space<vmem>>, vector<16xf32>,
    tpu.vector_store %arg11[%swap3A], %max3A_371 {strides = array<i32>} : memref<16xf32, #tpu.memory_space<vmem>>, vector<16xf32>,
    "tpu.region"() ({
      %run_scoped3A = tpu.sem_alloc : memref<!tpu.dma_semaphore, #tpu.memory_space<semaphore_mem>>
      %dma_start3A_373 = arith.constant 0 : i32
      %dma_start3A_374 = tpu.memref_slice %arg11[%dma_start3A_373] : memref<16xf32, #tpu.memory_space<vmem>> -> memref<16xf32, #tpu.memory_space<vmem>>
      %dma_start3A_375 = tpu.memref_slice %arg6[%mul3A_2] : memref<256xf32, #tpu.memory_space<hbm>> -> memref<16xf32, #tpu.memory_space<hbm>>
      %dma_start3A_376 = tpu.memref_slice %arg6[%mul3A_2] : memref<256xf32, #tpu.memory_space<hbm>> -> memref<16xf32, #tpu.memory_space<hbm>>
      %dma_start3A_377 = arith.constant 0 : i32
      %dma_start3A_378 = tpu.memref_slice %arg11[%dma_start3A_377] : memref<16xf32, #tpu.memory_space<vmem>> -> memref<16xf32, #tpu.memory_space<vmem>>
      tpu.enqueue_dma source(%dma_start3A_378 : memref<16xf32, #tpu.memory_space<vmem>>) target(%dma_start3A_376 : memref<16xf32, #tpu.memory_space<hbm>>) target_semaphore(%run_scoped3A : memref<!tpu.dma_semaphore, #tpu.memory_space<semaphore_mem>>)
      %dma_wait3A_379 = arith.constant 0 : i32
      %dma_wait3A_380 = tpu.memref_slice %arg11[%dma_wait3A_379] : memref<16xf32, #tpu.memory_space<vmem>> -> memref<16xf32, #tpu.memory_space<vmem>>
      %dma_wait3A_381 = tpu.memref_slice %arg6[%mul3A_2] : memref<256xf32, #tpu.memory_space<hbm>> -> memref<16xf32, #tpu.memory_space<hbm>>
      %dma_wait3A_382 = tpu.memref_slice %arg6[%mul3A_2] : memref<256xf32, #tpu.memory_space<hbm>> -> memref<16xf32, #tpu.memory_space<hbm>>
      %dma_wait3A_383 = arith.constant 0 : i32
      %dma_wait3A_384 = tpu.memref_slice %arg11[%dma_wait3A_383] : memref<16xf32, #tpu.memory_space<vmem>> -> memref<16xf32, #tpu.memory_space<vmem>>
      tpu.wait_dma2 semaphore(%run_scoped3A : memref<!tpu.dma_semaphore, #tpu.memory_space<semaphore_mem>>) src(%dma_wait3A_384 : memref<16xf32, #tpu.memory_space<vmem>>) dst(%dma_wait3A_382 : memref<16xf32, #tpu.memory_space<hbm>>)
      tpu.yield
    }) : () -> ()
    return
  }
}

module attributes {stable_mosaic.version = 14 : i64} {
  func.func @_sum_kernel(%arg0: memref<1x256xf32, #tpu.memory_space<vmem>>, %arg1: memref<1x1xf32, #tpu.memory_space<vmem>>) attributes {dimension_semantics = [], scalar_prefetch = 0 : i64, scratch_operands = 0 : i64, tpu.core_type = #tpu.core_type<tc>} {
    %get3A = arith.constant 0 : index
    %get3A_0 = arith.constant 0 : index
    %get3A_1 = vector.load %arg0[%get3A, %get3A_0] : memref<1x256xf32, #tpu.memory_space<vmem>>, vector<1x256xf32>
    %reduce_sum3A = arith.constant dense<0.000000e+00> : vector<1xf32>
    %reduce_sum3A_2 = vector.multi_reduction <add>, %get3A_1, %reduce_sum3A [1] : vector<1x256xf32> to vector<1xf32>
    %broadcast_in_dim3A = vector.shape_cast %reduce_sum3A_2 : vector<1xf32> to vector<1x1xf32>
    %swap3A = arith.constant 0 : index
    %swap3A_3 = arith.constant 0 : index
    %swap3A_4 = vector.load %arg1[%swap3A, %swap3A_3] : memref<1x1xf32, #tpu.memory_space<vmem>>, vector<1x1xf32>
    tpu.vector_store %arg1[%swap3A, %swap3A_3], %broadcast_in_dim3A {strides = array<i32>} : memref<1x1xf32, #tpu.memory_space<vmem>>, vector<1x1xf32>,
    return
  }
}

module attributes {stable_mosaic.version = 14 : i64} {
  func.func @_dense_kernel(%arg0: memref<256x512xf32, #tpu.memory_space<vmem>>, %arg1: memref<1x256xi32, #tpu.memory_space<vmem>>, %arg2: memref<256x1xi32, #tpu.memory_space<vmem>>, %arg3: memref<256x256xf32, #tpu.memory_space<vmem>>, %arg4: memref<256x16xf32, #tpu.memory_space<vmem>>, %arg5: memref<256x16xi32, #tpu.memory_space<vmem>>, %arg6: memref<256x1xi32, #tpu.memory_space<vmem>>) attributes {dimension_semantics = [], scalar_prefetch = 0 : i64, scratch_operands = 0 : i64, tpu.core_type = #tpu.core_type<tc>} {
    %get3A = arith.constant 0 : index
    %get3A_0 = arith.constant 0 : index
    %get3A_1 = vector.load %arg0[%get3A, %get3A_0] : memref<256x512xf32, #tpu.memory_space<vmem>>, vector<256x512xf32>
    %get3A_2 = arith.constant 0 : index
    %get3A_3 = arith.constant 0 : index
    %get3A_4 = vector.load %arg1[%get3A_2, %get3A_3] : memref<1x256xi32, #tpu.memory_space<vmem>>, vector<1x256xi32>
    %get3A_5 = arith.constant 0 : index
    %get3A_6 = arith.constant 0 : index
    %get3A_7 = vector.load %arg2[%get3A_5, %get3A_6] : memref<256x1xi32, #tpu.memory_space<vmem>>, vector<256x1xi32>
    %dot_general3A = arith.constant dense<0.000000e+00> : vector<256x256xf32>
    %dot_general3A_8 = tpu.matmul %get3A_1, %get3A_1, %dot_general3A {dimension_numbers = #tpu.dot_dimension_numbers<[1], [1], [0], [0], [0, 0, 1, 0], [], []>, precision = #tpu.contract_precision<fp32>, transpose_lhs_hint = false} : vector<256x512xf32>, vector<256x512xf32>, vector<256x256xf32> -> vector<256x256xf32>
    %iota3A = tpu.iota {dimensions = array<i32: 0>} : vector<256x256xi32>
    %iota3A_9 = tpu.iota {dimensions = array<i32: 1>} : vector<256x256xi32>
    %eq3A = arith.cmpi eq, %iota3A, %iota3A_9 : vector<256x256xi32>
    %jit3A = arith.constant 0.000000e+00 : f32
    %broadcast_in_dim3A = vector.broadcast %jit3A : f32 to vector<256x256xf32>
    %select_n3A = arith.select %eq3A, %dot_general3A_8, %broadcast_in_dim3A : vector<256x256xi1>, vector<256x256xf32>
    %reduce_sum3A = arith.constant dense<0.000000e+00> : vector<256xf32>
    %reduce_sum3A_10 = vector.multi_reduction <add>, %select_n3A, %reduce_sum3A [1] : vector<256x256xf32> to vector<256xf32>
    %broadcast_in_dim3A_11 = vector.shape_cast %reduce_sum3A_10 : vector<256xf32> to vector<256x1xf32>
    %reduce_sum3A_12 = arith.constant dense<0.000000e+00> : vector<256xf32>
    %reduce_sum3A_13 = vector.multi_reduction <add>, %select_n3A, %reduce_sum3A_12 [0] : vector<256x256xf32> to vector<256xf32>
    %broadcast_in_dim3A_14 = vector.shape_cast %reduce_sum3A_13 : vector<256xf32> to vector<1x256xf32>
    %add3A = vector.broadcast %broadcast_in_dim3A_11 : vector<256x1xf32> to vector<256x256xf32>
    %add3A_15 = vector.broadcast %broadcast_in_dim3A_14 : vector<1x256xf32> to vector<256x256xf32>
    %add3A_16 = arith.addf %add3A, %add3A_15 : vector<256x256xf32>
    %mul3A = arith.constant 2.000000e+00 : f32
    %mul3A_17 = vector.broadcast %mul3A : f32 to vector<256x256xf32>
    %mul3A_18 = arith.mulf %mul3A_17, %dot_general3A_8 : vector<256x256xf32>
    %sub3A = arith.subf %add3A_16, %mul3A_18 : vector<256x256xf32>
    %swap3A = arith.constant 0 : index
    %swap3A_19 = arith.constant 0 : index
    %swap3A_20 = vector.load %arg3[%swap3A, %swap3A_19] : memref<256x256xf32, #tpu.memory_space<vmem>>, vector<256x256xf32>
    tpu.vector_store %arg3[%swap3A, %swap3A_19], %sub3A {strides = array<i32>} : memref<256x256xf32, #tpu.memory_space<vmem>>, vector<256x256xf32>,
    %eq3A_21 = vector.broadcast %get3A_7 : vector<256x1xi32> to vector<256x256xi32>
    %eq3A_22 = vector.broadcast %get3A_4 : vector<1x256xi32> to vector<256x256xi32>
    %eq3A_23 = arith.cmpi eq, %eq3A_21, %eq3A_22 : vector<256x256xi32>
    %lt3A = vector.broadcast %get3A_7 : vector<256x1xi32> to vector<256x256xi32>
    %lt3A_24 = vector.broadcast %get3A_4 : vector<1x256xi32> to vector<256x256xi32>
    %lt3A_25 = arith.cmpi slt, %lt3A, %lt3A_24 : vector<256x256xi32>
    %gt3A = vector.broadcast %get3A_7 : vector<256x1xi32> to vector<256x256xi32>
    %gt3A_26 = vector.broadcast %get3A_4 : vector<1x256xi32> to vector<256x256xi32>
    %gt3A_27 = arith.cmpi sgt, %gt3A, %gt3A_26 : vector<256x256xi32>
    %jit3A_28 = arith.constant -3.000000e+38 : f32
    %broadcast_in_dim3A_29 = vector.broadcast %jit3A_28 : f32 to vector<256x256xf32>
    %select_n3A_30 = arith.select %eq3A_23, %sub3A, %broadcast_in_dim3A_29 : vector<256x256xi1>, vector<256x256xf32>
    %reduce_max3A = arith.constant dense<0xFF800000> : vector<256xf32>
    %reduce_max3A_31 = vector.multi_reduction <maximumf>, %select_n3A_30, %reduce_max3A [1] : vector<256x256xf32> to vector<256xf32>
    %broadcast_in_dim3A_32 = vector.shape_cast %reduce_max3A_31 : vector<256xf32> to vector<256x1xf32>
    %reduce_sum3A_33 = arith.constant dense<0.000000e+00> : vector<256xf32>
    %reduce_sum3A_34 = vector.multi_reduction <add>, %sub3A, %reduce_sum3A_33 [1] : vector<256x256xf32> to vector<256xf32>
    %broadcast_in_dim3A_35 = vector.shape_cast %reduce_sum3A_34 : vector<256xf32> to vector<256x1xf32>
    %eq3A_36 = arith.constant 0 : i32
    %eq3A_37 = vector.broadcast %eq3A_36 : i32 to vector<1x256xi32>
    %eq3A_38 = arith.cmpi eq, %get3A_4, %eq3A_37 : vector<1x256xi32>
    %jit3A_39 = arith.constant 0.000000e+00 : f32
    %broadcast_in_dim3A_40 = vector.shape_cast %eq3A_38 : vector<1x256xi1> to vector<1x256xi1>
    %broadcast_in_dim3A_41 = vector.broadcast %broadcast_in_dim3A_40 : vector<1x256xi1> to vector<256x256xi1>
    %broadcast_in_dim3A_42 = vector.broadcast %jit3A_39 : f32 to vector<256x256xf32>
    %select_n3A_43 = arith.select %broadcast_in_dim3A_41, %sub3A, %broadcast_in_dim3A_42 : vector<256x256xi1>, vector<256x256xf32>
    %reduce_sum3A_44 = arith.constant dense<0.000000e+00> : vector<256xf32>
    %reduce_sum3A_45 = vector.multi_reduction <add>, %select_n3A_43, %reduce_sum3A_44 [1] : vector<256x256xf32> to vector<256xf32>
    %broadcast_in_dim3A_46 = vector.shape_cast %reduce_sum3A_45 : vector<256xf32> to vector<256x1xf32>
    %sub3A_47 = arith.subf %broadcast_in_dim3A_35, %broadcast_in_dim3A_46 : vector<256x1xf32>
    %eq3A_48 = arith.constant 1 : i32
    %eq3A_49 = vector.broadcast %eq3A_48 : i32 to vector<1x256xi32>
    %eq3A_50 = arith.cmpi eq, %get3A_4, %eq3A_49 : vector<1x256xi32>
    %jit3A_51 = arith.constant 0.000000e+00 : f32
    %broadcast_in_dim3A_52 = vector.shape_cast %eq3A_50 : vector<1x256xi1> to vector<1x256xi1>
    %broadcast_in_dim3A_53 = vector.broadcast %broadcast_in_dim3A_52 : vector<1x256xi1> to vector<256x256xi1>
    %broadcast_in_dim3A_54 = vector.broadcast %jit3A_51 : f32 to vector<256x256xf32>
    %select_n3A_55 = arith.select %broadcast_in_dim3A_53, %sub3A, %broadcast_in_dim3A_54 : vector<256x256xi1>, vector<256x256xf32>
    %reduce_sum3A_56 = arith.constant dense<0.000000e+00> : vector<256xf32>
    %reduce_sum3A_57 = vector.multi_reduction <add>, %select_n3A_55, %reduce_sum3A_56 [1] : vector<256x256xf32> to vector<256xf32>
    %broadcast_in_dim3A_58 = vector.shape_cast %reduce_sum3A_57 : vector<256xf32> to vector<256x1xf32>
    %sub3A_59 = arith.subf %broadcast_in_dim3A_35, %broadcast_in_dim3A_58 : vector<256x1xf32>
    %eq3A_60 = arith.constant 2 : i32
    %eq3A_61 = vector.broadcast %eq3A_60 : i32 to vector<1x256xi32>
    %eq3A_62 = arith.cmpi eq, %get3A_4, %eq3A_61 : vector<1x256xi32>
    %jit3A_63 = arith.constant 0.000000e+00 : f32
    %broadcast_in_dim3A_64 = vector.shape_cast %eq3A_62 : vector<1x256xi1> to vector<1x256xi1>
    %broadcast_in_dim3A_65 = vector.broadcast %broadcast_in_dim3A_64 : vector<1x256xi1> to vector<256x256xi1>
    %broadcast_in_dim3A_66 = vector.broadcast %jit3A_63 : f32 to vector<256x256xf32>
    %select_n3A_67 = arith.select %broadcast_in_dim3A_65, %sub3A, %broadcast_in_dim3A_66 : vector<256x256xi1>, vector<256x256xf32>
    %reduce_sum3A_68 = arith.constant dense<0.000000e+00> : vector<256xf32>
    %reduce_sum3A_69 = vector.multi_reduction <add>, %select_n3A_67, %reduce_sum3A_68 [1] : vector<256x256xf32> to vector<256xf32>
    %broadcast_in_dim3A_70 = vector.shape_cast %reduce_sum3A_69 : vector<256xf32> to vector<256x1xf32>
    %sub3A_71 = arith.subf %broadcast_in_dim3A_35, %broadcast_in_dim3A_70 : vector<256x1xf32>
    %eq3A_72 = arith.constant 3 : i32
    %eq3A_73 = vector.broadcast %eq3A_72 : i32 to vector<1x256xi32>
    %eq3A_74 = arith.cmpi eq, %get3A_4, %eq3A_73 : vector<1x256xi32>
    %jit3A_75 = arith.constant 0.000000e+00 : f32
    %broadcast_in_dim3A_76 = vector.shape_cast %eq3A_74 : vector<1x256xi1> to vector<1x256xi1>
    %broadcast_in_dim3A_77 = vector.broadcast %broadcast_in_dim3A_76 : vector<1x256xi1> to vector<256x256xi1>
    %broadcast_in_dim3A_78 = vector.broadcast %jit3A_75 : f32 to vector<256x256xf32>
    %select_n3A_79 = arith.select %broadcast_in_dim3A_77, %sub3A, %broadcast_in_dim3A_78 : vector<256x256xi1>, vector<256x256xf32>
    %reduce_sum3A_80 = arith.constant dense<0.000000e+00> : vector<256xf32>
    %reduce_sum3A_81 = vector.multi_reduction <add>, %select_n3A_79, %reduce_sum3A_80 [1] : vector<256x256xf32> to vector<256xf32>
    %broadcast_in_dim3A_82 = vector.shape_cast %reduce_sum3A_81 : vector<256xf32> to vector<256x1xf32>
    %sub3A_83 = arith.subf %broadcast_in_dim3A_35, %broadcast_in_dim3A_82 : vector<256x1xf32>
    %eq3A_84 = arith.constant 4 : i32
    %eq3A_85 = vector.broadcast %eq3A_84 : i32 to vector<1x256xi32>
    %eq3A_86 = arith.cmpi eq, %get3A_4, %eq3A_85 : vector<1x256xi32>
    %jit3A_87 = arith.constant 0.000000e+00 : f32
    %broadcast_in_dim3A_88 = vector.shape_cast %eq3A_86 : vector<1x256xi1> to vector<1x256xi1>
    %broadcast_in_dim3A_89 = vector.broadcast %broadcast_in_dim3A_88 : vector<1x256xi1> to vector<256x256xi1>
    %broadcast_in_dim3A_90 = vector.broadcast %jit3A_87 : f32 to vector<256x256xf32>
    %select_n3A_91 = arith.select %broadcast_in_dim3A_89, %sub3A, %broadcast_in_dim3A_90 : vector<256x256xi1>, vector<256x256xf32>
    %reduce_sum3A_92 = arith.constant dense<0.000000e+00> : vector<256xf32>
    %reduce_sum3A_93 = vector.multi_reduction <add>, %select_n3A_91, %reduce_sum3A_92 [1] : vector<256x256xf32> to vector<256xf32>
    %broadcast_in_dim3A_94 = vector.shape_cast %reduce_sum3A_93 : vector<256xf32> to vector<256x1xf32>
    %sub3A_95 = arith.subf %broadcast_in_dim3A_35, %broadcast_in_dim3A_94 : vector<256x1xf32>
    %eq3A_96 = arith.constant 5 : i32
    %eq3A_97 = vector.broadcast %eq3A_96 : i32 to vector<1x256xi32>
    %eq3A_98 = arith.cmpi eq, %get3A_4, %eq3A_97 : vector<1x256xi32>
    %jit3A_99 = arith.constant 0.000000e+00 : f32
    %broadcast_in_dim3A_100 = vector.shape_cast %eq3A_98 : vector<1x256xi1> to vector<1x256xi1>
    %broadcast_in_dim3A_101 = vector.broadcast %broadcast_in_dim3A_100 : vector<1x256xi1> to vector<256x256xi1>
    %broadcast_in_dim3A_102 = vector.broadcast %jit3A_99 : f32 to vector<256x256xf32>
    %select_n3A_103 = arith.select %broadcast_in_dim3A_101, %sub3A, %broadcast_in_dim3A_102 : vector<256x256xi1>, vector<256x256xf32>
    %reduce_sum3A_104 = arith.constant dense<0.000000e+00> : vector<256xf32>
    %reduce_sum3A_105 = vector.multi_reduction <add>, %select_n3A_103, %reduce_sum3A_104 [1] : vector<256x256xf32> to vector<256xf32>
    %broadcast_in_dim3A_106 = vector.shape_cast %reduce_sum3A_105 : vector<256xf32> to vector<256x1xf32>
    %sub3A_107 = arith.subf %broadcast_in_dim3A_35, %broadcast_in_dim3A_106 : vector<256x1xf32>
    %eq3A_108 = arith.constant 6 : i32
    %eq3A_109 = vector.broadcast %eq3A_108 : i32 to vector<1x256xi32>
    %eq3A_110 = arith.cmpi eq, %get3A_4, %eq3A_109 : vector<1x256xi32>
    %jit3A_111 = arith.constant 0.000000e+00 : f32
    %broadcast_in_dim3A_112 = vector.shape_cast %eq3A_110 : vector<1x256xi1> to vector<1x256xi1>
    %broadcast_in_dim3A_113 = vector.broadcast %broadcast_in_dim3A_112 : vector<1x256xi1> to vector<256x256xi1>
    %broadcast_in_dim3A_114 = vector.broadcast %jit3A_111 : f32 to vector<256x256xf32>
    %select_n3A_115 = arith.select %broadcast_in_dim3A_113, %sub3A, %broadcast_in_dim3A_114 : vector<256x256xi1>, vector<256x256xf32>
    %reduce_sum3A_116 = arith.constant dense<0.000000e+00> : vector<256xf32>
    %reduce_sum3A_117 = vector.multi_reduction <add>, %select_n3A_115, %reduce_sum3A_116 [1] : vector<256x256xf32> to vector<256xf32>
    %broadcast_in_dim3A_118 = vector.shape_cast %reduce_sum3A_117 : vector<256xf32> to vector<256x1xf32>
    %sub3A_119 = arith.subf %broadcast_in_dim3A_35, %broadcast_in_dim3A_118 : vector<256x1xf32>
    %eq3A_120 = arith.constant 7 : i32
    %eq3A_121 = vector.broadcast %eq3A_120 : i32 to vector<1x256xi32>
    %eq3A_122 = arith.cmpi eq, %get3A_4, %eq3A_121 : vector<1x256xi32>
    %jit3A_123 = arith.constant 0.000000e+00 : f32
    %broadcast_in_dim3A_124 = vector.shape_cast %eq3A_122 : vector<1x256xi1> to vector<1x256xi1>
    %broadcast_in_dim3A_125 = vector.broadcast %broadcast_in_dim3A_124 : vector<1x256xi1> to vector<256x256xi1>
    %broadcast_in_dim3A_126 = vector.broadcast %jit3A_123 : f32 to vector<256x256xf32>
    %select_n3A_127 = arith.select %broadcast_in_dim3A_125, %sub3A, %broadcast_in_dim3A_126 : vector<256x256xi1>, vector<256x256xf32>
    %reduce_sum3A_128 = arith.constant dense<0.000000e+00> : vector<256xf32>
    %reduce_sum3A_129 = vector.multi_reduction <add>, %select_n3A_127, %reduce_sum3A_128 [1] : vector<256x256xf32> to vector<256xf32>
    %broadcast_in_dim3A_130 = vector.shape_cast %reduce_sum3A_129 : vector<256xf32> to vector<256x1xf32>
    %sub3A_131 = arith.subf %broadcast_in_dim3A_35, %broadcast_in_dim3A_130 : vector<256x1xf32>
    %eq3A_132 = arith.constant 8 : i32
    %eq3A_133 = vector.broadcast %eq3A_132 : i32 to vector<1x256xi32>
    %eq3A_134 = arith.cmpi eq, %get3A_4, %eq3A_133 : vector<1x256xi32>
    %jit3A_135 = arith.constant 0.000000e+00 : f32
    %broadcast_in_dim3A_136 = vector.shape_cast %eq3A_134 : vector<1x256xi1> to vector<1x256xi1>
    %broadcast_in_dim3A_137 = vector.broadcast %broadcast_in_dim3A_136 : vector<1x256xi1> to vector<256x256xi1>
    %broadcast_in_dim3A_138 = vector.broadcast %jit3A_135 : f32 to vector<256x256xf32>
    %select_n3A_139 = arith.select %broadcast_in_dim3A_137, %sub3A, %broadcast_in_dim3A_138 : vector<256x256xi1>, vector<256x256xf32>
    %reduce_sum3A_140 = arith.constant dense<0.000000e+00> : vector<256xf32>
    %reduce_sum3A_141 = vector.multi_reduction <add>, %select_n3A_139, %reduce_sum3A_140 [1] : vector<256x256xf32> to vector<256xf32>
    %broadcast_in_dim3A_142 = vector.shape_cast %reduce_sum3A_141 : vector<256xf32> to vector<256x1xf32>
    %sub3A_143 = arith.subf %broadcast_in_dim3A_35, %broadcast_in_dim3A_142 : vector<256x1xf32>
    %eq3A_144 = arith.constant 9 : i32
    %eq3A_145 = vector.broadcast %eq3A_144 : i32 to vector<1x256xi32>
    %eq3A_146 = arith.cmpi eq, %get3A_4, %eq3A_145 : vector<1x256xi32>
    %jit3A_147 = arith.constant 0.000000e+00 : f32
    %broadcast_in_dim3A_148 = vector.shape_cast %eq3A_146 : vector<1x256xi1> to vector<1x256xi1>
    %broadcast_in_dim3A_149 = vector.broadcast %broadcast_in_dim3A_148 : vector<1x256xi1> to vector<256x256xi1>
    %broadcast_in_dim3A_150 = vector.broadcast %jit3A_147 : f32 to vector<256x256xf32>
    %select_n3A_151 = arith.select %broadcast_in_dim3A_149, %sub3A, %broadcast_in_dim3A_150 : vector<256x256xi1>, vector<256x256xf32>
    %reduce_sum3A_152 = arith.constant dense<0.000000e+00> : vector<256xf32>
    %reduce_sum3A_153 = vector.multi_reduction <add>, %select_n3A_151, %reduce_sum3A_152 [1] : vector<256x256xf32> to vector<256xf32>
    %broadcast_in_dim3A_154 = vector.shape_cast %reduce_sum3A_153 : vector<256xf32> to vector<256x1xf32>
    %sub3A_155 = arith.subf %broadcast_in_dim3A_35, %broadcast_in_dim3A_154 : vector<256x1xf32>
    %broadcast_in_dim3A_156 = arith.constant 3.000000e+38 : f32
    %broadcast_in_dim3A_157 = vector.broadcast %broadcast_in_dim3A_156 : f32 to vector<256x1xf32>
    %broadcast_in_dim3A_158 = arith.constant 3.000000e+38 : f32
    %broadcast_in_dim3A_159 = vector.broadcast %broadcast_in_dim3A_158 : f32 to vector<256x1xf32>
    %broadcast_in_dim3A_160 = arith.constant 3.000000e+38 : f32
    %broadcast_in_dim3A_161 = vector.broadcast %broadcast_in_dim3A_160 : f32 to vector<256x1xf32>
    %broadcast_in_dim3A_162 = arith.constant 3.000000e+38 : f32
    %broadcast_in_dim3A_163 = vector.broadcast %broadcast_in_dim3A_162 : f32 to vector<256x1xf32>
    %broadcast_in_dim3A_164 = arith.constant 3.000000e+38 : f32
    %broadcast_in_dim3A_165 = vector.broadcast %broadcast_in_dim3A_164 : f32 to vector<256x1xf32>
    %concatenate3A = tpu.concatenate %sub3A_47, %sub3A_59, %sub3A_71, %sub3A_83, %sub3A_95, %sub3A_107, %sub3A_119, %sub3A_131, %sub3A_143, %sub3A_155, %broadcast_in_dim3A_32, %broadcast_in_dim3A_157, %broadcast_in_dim3A_159, %broadcast_in_dim3A_161, %broadcast_in_dim3A_163, %broadcast_in_dim3A_165 in 1 : vector<256x1xf32>, vector<256x1xf32>, vector<256x1xf32>, vector<256x1xf32>, vector<256x1xf32>, vector<256x1xf32>, vector<256x1xf32>, vector<256x1xf32>, vector<256x1xf32>, vector<256x1xf32>, vector<256x1xf32>, vector<256x1xf32>, vector<256x1xf32>, vector<256x1xf32>, vector<256x1xf32>, vector<256x1xf32> -> vector<256x16xf32>
    %swap3A_166 = arith.constant 0 : index
    %swap3A_167 = arith.constant 0 : index
    %swap3A_168 = vector.load %arg4[%swap3A_166, %swap3A_167] : memref<256x16xf32, #tpu.memory_space<vmem>>, vector<256x16xf32>
    tpu.vector_store %arg4[%swap3A_166, %swap3A_167], %concatenate3A {strides = array<i32>} : memref<256x16xf32, #tpu.memory_space<vmem>>, vector<256x16xf32>,
    %convert_element_type3A = arith.extui %gt3A_27 : vector<256x256xi1> to vector<256x256xi32>
    %reduce_sum3A_169 = arith.constant dense<0> : vector<256xi32>
    %reduce_sum3A_170 = vector.multi_reduction <add>, %convert_element_type3A, %reduce_sum3A_169 [1] : vector<256x256xi32> to vector<256xi32>
    %broadcast_in_dim3A_171 = vector.shape_cast %reduce_sum3A_170 : vector<256xi32> to vector<256x1xi32>
    %convert_element_type3A_172 = arith.extui %eq3A_23 : vector<256x256xi1> to vector<256x256xi32>
    %reduce_sum3A_173 = arith.constant dense<0> : vector<256xi32>
    %reduce_sum3A_174 = vector.multi_reduction <add>, %convert_element_type3A_172, %reduce_sum3A_173 [1] : vector<256x256xi32> to vector<256xi32>
    %broadcast_in_dim3A_175 = vector.shape_cast %reduce_sum3A_174 : vector<256xi32> to vector<256x1xi32>
    %broadcast_in_dim3A_176 = arith.constant 0 : i32
    %broadcast_in_dim3A_177 = vector.broadcast %broadcast_in_dim3A_176 : i32 to vector<256x1xi32>
    %concatenate3A_178 = tpu.concatenate %broadcast_in_dim3A_171, %broadcast_in_dim3A_175, %broadcast_in_dim3A_177, %broadcast_in_dim3A_177, %broadcast_in_dim3A_177, %broadcast_in_dim3A_177, %broadcast_in_dim3A_177, %broadcast_in_dim3A_177, %broadcast_in_dim3A_177, %broadcast_in_dim3A_177, %broadcast_in_dim3A_177, %broadcast_in_dim3A_177, %broadcast_in_dim3A_177, %broadcast_in_dim3A_177, %broadcast_in_dim3A_177, %broadcast_in_dim3A_177 in 1 : vector<256x1xi32>, vector<256x1xi32>, vector<256x1xi32>, vector<256x1xi32>, vector<256x1xi32>, vector<256x1xi32>, vector<256x1xi32>, vector<256x1xi32>, vector<256x1xi32>, vector<256x1xi32>, vector<256x1xi32>, vector<256x1xi32>, vector<256x1xi32>, vector<256x1xi32>, vector<256x1xi32>, vector<256x1xi32> -> vector<256x16xi32>
    %swap3A_179 = arith.constant 0 : index
    %swap3A_180 = arith.constant 0 : index
    %swap3A_181 = vector.load %arg5[%swap3A_179, %swap3A_180] : memref<256x16xi32, #tpu.memory_space<vmem>>, vector<256x16xi32>
    tpu.vector_store %arg5[%swap3A_179, %swap3A_180], %concatenate3A_178 {strides = array<i32>} : memref<256x16xi32, #tpu.memory_space<vmem>>, vector<256x16xi32>,
    %iota3A_182 = tpu.iota {dimensions = array<i32: 1>} : vector<256x256xi32>
    %iota3A_183 = tpu.iota {dimensions = array<i32: 0>} : vector<256x256xi32>
    %lt3A_184 = arith.cmpi slt, %iota3A_183, %iota3A_182 : vector<256x256xi32>
    %and3A = arith.andi %eq3A_23, %lt3A_184 : vector<256x256xi1>
    %or3A = arith.ori %lt3A_25, %and3A : vector<256x256xi1>
    %convert_element_type3A_185 = arith.extui %or3A : vector<256x256xi1> to vector<256x256xi32>
    %reduce_sum3A_186 = arith.constant dense<0> : vector<256xi32>
    %reduce_sum3A_187 = vector.multi_reduction <add>, %convert_element_type3A_185, %reduce_sum3A_186 [0] : vector<256x256xi32> to vector<256xi32>
    %broadcast_in_dim3A_188 = vector.shape_cast %reduce_sum3A_187 : vector<256xi32> to vector<1x256xi32>
    %eq3A_189 = vector.broadcast %broadcast_in_dim3A_188 : vector<1x256xi32> to vector<256x256xi32>
    %eq3A_190 = arith.cmpi eq, %eq3A_189, %iota3A_183 : vector<256x256xi32>
    %jit3A_191 = arith.constant 0 : i32
    %broadcast_in_dim3A_192 = vector.broadcast %jit3A_191 : i32 to vector<256x256xi32>
    %select_n3A_193 = arith.select %eq3A_190, %iota3A_182, %broadcast_in_dim3A_192 : vector<256x256xi1>, vector<256x256xi32>
    %reduce_sum3A_194 = arith.constant dense<0> : vector<256xi32>
    %reduce_sum3A_195 = vector.multi_reduction <add>, %select_n3A_193, %reduce_sum3A_194 [1] : vector<256x256xi32> to vector<256xi32>
    %broadcast_in_dim3A_196 = vector.shape_cast %reduce_sum3A_195 : vector<256xi32> to vector<256x1xi32>
    %swap3A_197 = arith.constant 0 : index
    %swap3A_198 = arith.constant 0 : index
    %swap3A_199 = vector.load %arg6[%swap3A_197, %swap3A_198] : memref<256x1xi32, #tpu.memory_space<vmem>>, vector<256x1xi32>
    tpu.vector_store %arg6[%swap3A_197, %swap3A_198], %broadcast_in_dim3A_196 {strides = array<i32>} : memref<256x1xi32, #tpu.memory_space<vmem>>, vector<256x1xi32>,
    return
  }
}

</mosaic_0001>

<sc_bundles>
// kernel: kernel.5.cloned.1.call-start
scs
__scs_entry_jumppad:
0x0: {  	(pc) =	sbr.rel $0x88, $3  }
0x1: {  	(tag) =	ssettag $0x0;
	lr =	simm.s32 $0x1  }
0x2: {  	[smem:$0x3F9F] =	sst lr;
	_ =	strace $0xD0000000  }
0x3: {  	_ = 	snop  }
0x4: {  	_ = 	snop  }
0x5: {  	_ = 	snop  }
0x6: {  	_ = 	snop  }
0x7: {  	_ = 	snop  }
__scs_overlays_trampoline_lowered:
0x8: {  	[smem:$0x3FAE] =	sst s0  }
0x9: {  	[smem:$0x3FAF] =	sst s1  }
0xa: {  	[smem:$0x3FB0] =	sst s2  }
0xb: {  	[smem:$0x3FB1] =	sst s3  }
0xc: {  	[smem:$0x3FB2] =	sst s4  }
0xd: {  	[smem:$0x3FB3] =	sst s5  }
0xe: {  	[smem:$0x3FB4] =	sst s6  }
0xf: {  	[smem:$0x3FB5] =	sst s7  }
0x10: {  	[smem:$0x3FB6] =	sst s8  }
0x11: {  	[smem:$0x3FB7] =	sst s9;
	s0 =	simm.s32 @!p0 $0x0  }
0x12: {  	s1 =	sld [smem:$0x3F9D];
	s0 =	simm.s32 @p0 $0x1  }
0x13: {  	[smem:$0x3FB8] =	sst s0;
	s0 =	simm.s32 @!p1 $0x0  }
0x14: {  	s2 =	sld [smem:$0x3F9C];
	s0 =	simm.s32 @p1 $0x1  }
0x15: {  	[smem:$0x3FB9] =	sst s0;
	s0 =	simm.s32 @!p2 $0x0  }
0x16: {  	s3 =	sld [smem:$0x3FDB];
	s0 =	simm.s32 @p2 $0x1  }
0x17: {  	s4 =	simm.s32 $0x1BF5;
	[smem:$0x3FBB] =	sst s0  }
0x18: {  	s0 =	sld [smem:$0x3F9E];
	_ =	swait.ge [sflag:s4], $0x0  }
0x19: {  	s7 =	sld [smem:$0x3F9F]  }
0x1a: {  	s8 =	sadd.s32 $0xFFFFE003, lr  }
0x1b: {  	s9 =	sadd.s32 $0xFFFFFEF7, lr;
	s5 =	simm.s32 $0xFFFFFFFF;
	p2 =	slt.u32 s8, $0xFFFFF086  }
0x1c: {  	p1 =	slt.u32 s9, $0xF7A;
	s5 =	simm.s32 @!p2 $0x0  }
0x1d: {  	s5 =	simm.s32 @p1 $0x1;
	p0 =	seq.s32 s7, s2  }
0x1e: {  	s7 =	smul.u32 @!p0 $0xF7A, s2;
	p2 =	seq.s32 @!p0 s5, $0x0  }
0x1f: {  	s9 =	smul.u32 $0xF7A, s1;
	s8 =	simm.s32 @!p0 $0x1BF5;
	p2 =	por !p2, p0  }
0x20: {  	[sflag:s8] =	ssyncset.s32 @!p0 $0xFFFFF086;
	s6 =	sadd.s32 @!p0 s3, s7;
	s7 =	simm.s32 @!p0 $0x108  }
0x21: {  	s3 =	sadd.s32 s3, s9;
	s6 =	sadd.s32 @!p0 $0x88, s6;
	s7 =	simm.s32 @p2 $0x1082  }
0x22: {  	[simem:s7], [sflag:s8] =	dma.local @!p0 [hbm:s6], $0xF7A  }
0x23: {  	s9 =	sor.u32 $0xD0000000, s2;
	s6 =	simm.s32 $0x108;
	_ =	swait.ge @!p0 [sflag:s8], $0x0  }
0x24: {  	s3 =	sadd.s32 $0x88, s3;
	s6 =	simm.s32 @!p1 $0x1082;
	[sflag:s4] =	ssyncset.s32 $0xFFFFF086  }
0x25: {  	[simem:s6], [sflag:s4] =	dma.local [hbm:s3], $0xF7A  }
0x26: {  	[smem:$0x3F9F] =	sst s1;
	(tag) =	ssettag s2;
	_ =	strace s9  }
0x27: {  	s1 =	sld [smem:$0x3FAF]  }
0x28: {  	s2 =	sld [smem:$0x3FB0]  }
0x29: {  	s4 =	sld [smem:$0x3FB2]  }
0x2a: {  	p0 =	seq.s32 s5, $0x0;
	s5 =	sld [smem:$0x3FB3]  }
0x2b: {  	s6 =	sld [smem:$0x3FB4]  }
0x2c: {  	s7 =	sld [smem:$0x3FB5]  }
0x2d: {  	s3 =	simm.s32 $0x108;
	s8 =	sld [smem:$0x3FB6]  }
0x2e: {  	s3 =	simm.s32 @!p0 $0x1082;
	s9 =	sld [smem:$0x3FB7]  }
0x2f: {  	lr =	sadd.s32 s0, s3;
	s0 =	sld [smem:$0x3FAE]  }
0x30: {  	s3 =	sld [smem:$0x3FB1]  }
0x31: {  	[smem:$0x3FBA] =	sst s10  }
0x32: {  	s10 =	sld [smem:$0x3FB8];
	_ =	sdelay $0x3  }
0x33: {  	p0 =	seq.s32 s10, $0x1;
	s10 =	sld [smem:$0x3FBA];
	_ =	sdelay $0x3  }
0x34: {  	[smem:$0x3FBA] =	sst s10  }
0x35: {  	s10 =	sld [smem:$0x3FB9];
	_ =	sdelay $0x3  }
0x36: {  	p1 =	seq.s32 s10, $0x1;
	s10 =	sld [smem:$0x3FBA];
	_ =	sdelay $0x3  }
0x37: {  	[smem:$0x3FBA] =	sst s10  }
0x38: {  	s10 =	sld [smem:$0x3FBB]  }
0x39: {  	_ = 	snop;
	(pc) =	sbr.ind lr, $3  }
0x3a: {  	_ = 	snop  }
0x3b: {  	_ = 	snop  }
0x3c: {  	p2 =	seq.s32 s10, $0x1;
	s10 =	sld [smem:$0x3FBA]  }
0x3d: {  	_ =	shalt  }
0x3e: {  	_ =	shalt  }
0x3f: {  	_ =	shalt  }
0x40: {  	_ =	shalt  }
0x41: {  	_ =	shalt  }
0x42: {  	_ =	shalt  }
0x43: {  	_ =	shalt  }
0x44: {  	_ =	shalt  }
0x45: {  	_ =	shalt  }
0x46: {  	_ =	shalt  }
0x47: {  	_ =	shalt  }
0x48: {  	_ =	shalt  }
0x49: {  	_ =	shalt  }
0x4a: {  	_ =	shalt  }
0x4b: {  	_ =	shalt  }
0x4c: {  	_ =	shalt  }
0x4d: {  	_ =	shalt  }
0x4e: {  	_ =	shalt  }
0x4f: {  	_ =	shalt  }
0x50: {  	_ =	shalt  }
0x51: {  	_ =	shalt  }
0x52: {  	_ =	shalt  }
0x53: {  	_ =	shalt  }
0x54: {  	_ =	shalt  }
0x55: {  	_ =	shalt  }
0x56: {  	_ =	shalt  }
0x57: {  	_ =	shalt  }
0x58: {  	_ =	shalt  }
0x59: {  	_ =	shalt  }
0x5a: {  	_ =	shalt  }
0x5b: {  	_ =	shalt  }
0x5c: {  	_ =	shalt  }
0x5d: {  	_ =	shalt  }
0x5e: {  	_ =	shalt  }
0x5f: {  	_ =	shalt  }
0x60: {  	_ =	shalt  }
0x61: {  	_ =	shalt  }
0x62: {  	_ =	shalt  }
0x63: {  	_ =	shalt  }
0x64: {  	_ =	shalt  }
0x65: {  	_ =	shalt  }
0x66: {  	_ =	shalt  }
0x67: {  	_ =	shalt  }
0x68: {  	_ =	shalt  }
0x69: {  	_ =	shalt  }
0x6a: {  	_ =	shalt  }
0x6b: {  	_ =	shalt  }
0x6c: {  	_ =	shalt  }
0x6d: {  	_ =	shalt  }
0x6e: {  	_ =	shalt  }
0x6f: {  	_ =	shalt  }
0x70: {  	_ =	shalt  }
0x71: {  	_ =	shalt  }
0x72: {  	_ =	shalt  }
0x73: {  	_ =	shalt  }
0x74: {  	_ =	shalt  }
0x75: {  	_ =	shalt  }
0x76: {  	_ =	shalt  }
0x77: {  	_ =	shalt  }
0x78: {  	_ =	shalt  }
0x79: {  	_ =	shalt  }
0x7a: {  	_ =	shalt  }
0x7b: {  	_ =	shalt  }
0x7c: {  	_ =	shalt  }
0x7d: {  	_ =	shalt  }
0x7e: {  	_ =	shalt  }
0x7f: {  	_ =	shalt  }
0x80: {  	_ =	shalt  }
0x81: {  	_ =	shalt  }
0x82: {  	_ =	shalt  }
0x83: {  	_ =	shalt  }
0x84: {  	_ =	shalt  }
0x85: {  	_ =	shalt  }
0x86: {  	_ =	shalt  }
0x87: {  	_ =	shalt  }
.Lfunc_end0:
.L_simem_size_0:
called_computation_lowered:
.L_overlay_start_0:
0x88: {  	s0 =	sld [smem:$0x3FD9]  }
0x89: {  	s1 =	sld [smem:$0x3FFE];
	_ =	sdelay $0x3  }
0x8a: {  	s0 =	sadd.s32 s1, s0  }
0x8b: {  	[smem:$0x3FC6] =	sst s0  }
0x8c: {  	_ = 	snop  }
0x8d: {  	(tm) =	ssettm $0x1  }
0x8e: {  	s15 =	sld [smem:$0x3FFB];
	_ =	sdelay $0x3  }
0x8f: {  	_ =	strace s15  }
0x90: {  	s0 =	sld [smem:$0x3FFC];
	_ =	sdelay $0x3  }
0x91: {  	_ =	strace s0  }
0x92: {  	s0 =	sld [smem:$0x3FFD];
	_ =	sdelay $0x3  }
0x93: {  	_ =	strace s0  }
0x94: {  	_ =	strace $0x8FFFFFFF  }
0x95: {  	s16 =	sld [smem:$0x3FDB];
	_ =	sdelay $0x1  }
0x96: {  	s17 =	simm.s32 $_scs_section_size  }
0x97: {  	s2 =	simm.s32 $_size__tile_overlayer_lowered;
	s3 =	simm.s32 $_tile_overlayer_lowered  }
0x98: {  	s20 =	simm.s32 $0x1BFF;
	s19 =	sshll.u32 s3, $0x1;
	s0 =	sadd.s32 s17, s16  }
0x99: {  	s4 =	simm.s32 $0x0;
	s18 =	sshll.u32 s2, $0x1;
	s2 =	sadd.s32 s19, s0  }
0x9a: {  	[timem:s4], [sflag:s20] =	dma.local [hbm:s2], s18  }
0x9b: {  	_ =	swait.ge [sflag:s20], s18  }
0x9c: {  	s1 =	ssub.s32 $0x0, s18;
	[sflag:s20] =	ssyncset.done $0x0  }
0x9d: {  	[sflag:s20] =	ssyncadd.s32 s1;
	_ =	sdelay $0x1  }
0x9e: {  	s21 =	simm.s32 $0x1B8B  }
0x9f: {  	_ =	swait.ge [sflag:s21], $0x1  }
0xa0: {  	[sflag:s21] =	ssyncset.done $0x0  }
0xa1: {  	s23 =	simm.s32 $0x1B8E;
	s22 =	sld [smem:$0x3FFE];
	[sflag:s21] =	ssyncadd.s32 $0xFFFFFFFF  }
0xa2: {  	s24 =	simm.s32 $execute0_lowered;
	[smem:$0x3FD2] =	sst s23  }
0xa3: {  	s2 =	sshll.u32 s24, $0x1;
	_ =	strace $0x80000046;
	[dreg:$0x1] =	wrdreg $0xFFFFFFFF  }
0xa4: {  	s25 =	simm.s32 $_size_execute0_lowered;
	s0 =	sadd.s32 s0, s2;
	[dreg:$0x0] =	wrdreg $0x0  }
0xa5: {  	s2 =	sshll.u32 s25, $0x1;
	[dreg:$0x2] =	wrdreg s0  }
0xa6: {  	[dreg:$0x3] =	wrdreg s2  }
0xa7: {  	[dreg:$0x4] =	wrdreg $0xC0  }
0xa8: {  	_ =	task [dreg:s4], $0x5FFFF  }
0xa9: {  	[dreg:$0x1] =	wrdreg $0xFFFFFFFF  }
0xaa: {  	[dreg:$0x0] =	wrdreg $0x60  }
0xab: {  	[dreg:$0x2] =	wrdreg s22  }
0xac: {  	[dreg:$0x3] =	wrdreg $0x9  }
0xad: {  	_ =	task.clear_ibuf [dreg:s4], $0x4FFFF;
	_ =	strace $0x90000046  }
0xae: {  	s26 =	simm.s32 $0x9;
	_ =	strace $0x80000048  }
0xaf: {  	_ =	swait.ge [sflag:s26], $0x1  }
0xb0: {  	[sflag:s26] =	ssyncadd.s32 $0xFFFFFFFF  }
0xb1: {  	_ =	strace $0x90000048  }
0xb2: {  	_ =	sfence  }
0xb3: {  	s28 =	sld [smem:$0x0];
	_ =	sdelay $0x1  }
0xb4: {  	s29 =	srdreg.scid  }
0xb5: {  	s30 =	sshll.u32 s29, $0xD;
	s31 =	sshrl.u32 s29, $0x2  }
0xb6: {  	s1 =	sand.u32 $0x1, s29;
	s2 =	sand.u32 $0x4000, s30;
	s0 =	sadd.s32 s31, s28  }
0xb7: {  	s1 =	sor.u32 s2, s1;
	s0 =	sshll.u32 s0, $0x11  }
0xb8: {  	s0 =	sor.u32 s0, s1  }
0xb9: {  	s0 =	sadd.s32 $0x8F2B, s0  }
0xba: {  	[sflag:s0] =	ssyncadd.remote.s32 $0x1  }
0xbb: {  	_ =	sfence.sel $0xFFFF  }
0xbc: {  	[dreg:$0x0] =	wrdreg $0xFFFFFFFF;
	(pc) =	sbr.abs _section_cstart, $3  }
0xbd: {  	[dreg:$0x1] =	wrdreg $0xFFFFFFFF  }
0xbe: {  	_ =	task.clear_ibuf [dreg:s4], $0x2FFFF;
	_ =	strace $0x9FFFFFFF  }
0xbf: {  	(tm) =	ssettm $0x7FFFFFFF  }
tec
execute0_lowered:
.L_overlay_start_1:
0x0: {  	(tag) =	ssettag $0x1  }
0x1: {  	s3 =	rddreg [dreg:$0x0];
	s1 =	stileid.u32  }
0x2: {  	s0 =	rddreg [dreg:$0x1];
	s2 =	simm.s32 $0x0;
	s4 =	sshll.u32 s1, $0x9  }
0x3: {  	[smem:$0x7FF] =	sst s2;
	s5 =	sshll.u32 s1, $0x8;
	s4 =	sadd.s32 s4, s3  }
0x4: {  	_ =	strace $0x80000047;
	s5 =	sadd.s32 s5, s3;
	s4 =	sadd.s32 $0xE00, s4  }
0x5: {  	[tilespmem:s2], [sflag:$0x1] =	stream.linear.gather [hbm4b:s4+s2], $0x1000, $0x38;
	[tilespmem:$0x2180] =	vst v63  }
0x6: {  	s23 =	simm.s32 $0x1000;
	s6 =	sadd.s32 $0x3E00, s5  }
0x7: {  	[tilespmem:s23], [sflag:$0x2] =	stream.linear.gather [hbm4b:s6+s2], $0x800, $0x38;
	[tilespmem:$0x2180] =	vst v63  }
0x8: {  	s24 =	simm.s32 $0x1800;
	s5 =	sadd.s32 $0x2E00, s5  }
0x9: {  	[tilespmem:s24], [sflag:$0x2] =	stream.linear.gather [hbm4b:s5+s2], $0x800, $0x38;
	[tilespmem:$0x2180] =	vst v63  }
0xa: {  	s25 =	simm.s32 $0x2000;
	s26 =	simm.s32 $0x2;
	s7 =	sadd.s32 $0x4E00, s3  }
0xb: {  	[tilespmem:s25], [sflag:$0x2] =	stream.linear.gather [hbm4b:s7+s2], $0x100, $0x38;
	[tilespmem:$0x2180] =	vst v63  }
0xc: {  	_ =	swait.ge [sflag:s26], $0x800  }
0xd: {  	[sflag:s26] =	ssyncset.done $0x0  }
0xe: {  	[sflag:s26] =	ssyncadd.s32 $0xFFFFF800  }
0xf: {  	_ =	swait.ge [sflag:s26], $0x800  }
0x10: {  	[sflag:s26] =	ssyncset.done $0x0  }
0x11: {  	[sflag:s26] =	ssyncadd.s32 $0xFFFFF800  }
0x12: {  	_ =	swait.ge [sflag:s26], $0x100  }
0x13: {  	[sflag:s26] =	ssyncset.done $0x0  }
0x14: {  	[sflag:s26] =	ssyncadd.s32 $0xFFFFFF00  }
0x15: {  	v0 =	vld [tilespmem:$0x1000]  }
0x16: {  	v1 =	vld [tilespmem:$0x1080]  }
0x17: {  	v2 =	vld [tilespmem:$0x1100]  }
0x18: {  	v3 =	vld [tilespmem:$0x1180]  }
0x19: {  	vm0 =	vmmov $0x3ff;
	v4 =	vld [tilespmem:$0x1200]  }
0x1a: {  	v5 =	vld [tilespmem:$0x1280];
	v0 =	vnsel vm0, $0x7F61B1E6, v0  }
0x1b: {  	v6 =	vld [tilespmem:$0x1300];
	(xrf0) =	vmin.scan.msk.f32 $0xffff, v0  }
0x1c: {  	v9 =	vld [tilespmem:$0x1380]  }
0x1d: {  	v10 =	vld [tilespmem:$0x1400];
	v1 =	vnsel vm0, $0x7F61B1E6, v1  }
0x1e: {  	v17 =	vld [tilespmem:$0x1480];
	v2 =	vnsel vm0, $0x7F61B1E6, v2;
	(xrf0) =	vmin.scan.msk.f32 $0xffff, v1  }
0x1f: {  	v25 =	vld [tilespmem:$0x1580];
	v3 =	vnsel vm0, $0x7F61B1E6, v3;
	(xrf0) =	vmin.scan.msk.f32 $0xffff, v2  }
0x20: {  	vm9 =	vmmov $0x1;
	v35 =	vld [tilespmem:$0x1700];
	v4 =	vnsel vm0, $0x7F61B1E6, v4;
	(xrf0) =	vmin.scan.msk.f32 $0xffff, v3  }
0x21: {  	vm11 =	vmmov $0x3;
	vm13 =	vmmov $0x7;
	vm15 =	vmmov $0xf;
	v36 =	vld [tilespmem:$0x1780];
	v7, _, _ =	vpop (xrf0);
	(xrf0) =	vmin.scan.msk.f32 $0xffff, v4  }
0x22: {  	vm6 =	vmmov $0x1f;
	vm7 =	vmmov $0x3f;
	v46 =	vlaneseq.u32;
	v29 =	vld [tilespmem:$0x1600]  }
0x23: {  	v5 =	vnsel vm0, $0x7F61B1E6, v5;
	v6 =	vnsel vm0, $0x7F61B1E6, v6;
	v19 =	vnsel vm0, $0x7F61B1E6, v9  }
0x24: {  	v20 =	vld [tilespmem:$0x1500];
	v10 =	vnsel vm0, $0x7F61B1E6, v10;
	v28 =	vnsel vm0, $0x7F61B1E6, v17;
	v8, _, _ =	vpop (xrf0);
	v7 =	vbroadcast v7, $0xF;
	(xrf0) =	vmin.scan.msk.f32 $0xffff, v5  }
0x25: {  	v34 =	vnsel vm0, $0x7F61B1E6, v25;
	v9 =	vnsel vm0, $0x7F61B1E6, v35;
	v8 =	vbroadcast v8, $0xF;
	v11, _, _ =	vpop (xrf0);
	(xrf0) =	vmin.scan.msk.f32 $0xffff, v6  }
0x26: {  	v41 =	vnsel vm0, $0x7F61B1E6, v36;
	vm1 =	veq.f32 v0, v7;
	v13 =	vbroadcast v11, $0xF;
	v16, _, _ =	vpop (xrf0)  }
0x27: {  	v11 =	vnsel vm0, $0x7F61B1E6, v29;
	vm2 =	veq.f32 v1, v8;
	v18 =	vbroadcast v16, $0xF;
	v22, _, _ =	vpop (xrf0);
	(xrf0) =	vmin.scan.msk.f32 $0xffff, v19  }
0x28: {  	v14 =	vmctz.xlane vm1;
	v15 =	vmctz.xlane vm2;
	vm10 =	veq.f32 v2, v13  }
0x29: {  	v8 =	vnsel vm0, $0x7F61B1E6, v20;
	v13 =	vld [tilespmem:$0x1680];
	v21 =	vmctz.xlane vm10;
	vm12 =	veq.f32 v3, v18;
	(xrf0) =	vmin.scan.msk.f32 $0xffff, v10  }
0x2a: {  	vm10 =	vmmov $0x7f;
	v1 =	vsel vm9, v14, v15;
	v23 =	vbroadcast v22, $0xF;
	v24, _, _ =	vpop (xrf0);
	(xrf0) =	vmin.scan.msk.f32 $0xffff, v28  }
0x2b: {  	v3 =	vmctz.xlane vm12;
	v1 =	vsel vm11, v1, v21;
	v26 =	vbroadcast v24, $0xF;
	v27, _, _ =	vpop (xrf0);
	(xrf0) =	vmin.scan.msk.f32 $0xffff, v8  }
0x2c: {  	vm11 =	vmmov $0xff;
	vm14 =	veq.f32 v4, v23;
	v4 =	vbroadcast v27, $0xF  }
0x2d: {  	v1 =	vsel vm13, v1, v3;
	v12 =	vmctz.xlane vm14;
	vm4 =	veq.f32 v5, v26;
	v32, _, _ =	vpop (xrf0);
	(xrf0) =	vmin.scan.msk.f32 $0xffff, v34  }
0x2e: {  	v37 =	vnsel vm0, $0x7F61B1E6, v13;
	vm14 =	vmmov $0x1ff;
	v31 =	vmctz.xlane vm4  }
0x2f: {  	vm5 =	veq.f32 v6, v4;
	v30 =	vsel vm15, v1, v12;
	v33, _, _ =	vpop (xrf0);
	v3 =	vbroadcast v32, $0xF  }
0x30: {  	v4 =	vmctz.xlane vm5;
	v0 =	vsel vm6, v30, v31;
	(xrf0) =	vmin.scan.msk.f32 $0xffff, v11;
	v5 =	vbroadcast v33, $0xF;
	v38, _, _ =	vpop (xrf0)  }
0x31: {  	vm6 =	vmmov $0x7ff;
	(xrf0) =	vmin.scan.msk.f32 $0xffff, v37;
	vm8 =	veq.f32 v19, v3;
	v40, _, _ =	vpop (xrf0);
	v2 =	vbroadcast v38, $0xF  }
0x32: {  	(xrf0) =	vmin.scan.msk.f32 $0xffff, v9;
	vm9 =	veq.f32 v10, v5;
	v3 =	vmctz.xlane vm8;
	v5 =	vbroadcast v40, $0xF  }
0x33: {  	v0 =	vsel vm7, v0, v4;
	vm7 =	vmmov $0xfff;
	v39 =	vmctz.xlane vm9;
	v42, _, _ =	vpop (xrf0);
	(xrf0) =	vmin.scan.msk.f32 $0xffff, v41  }
0x34: {  	vm12 =	veq.f32 v28, v2;
	v0 =	vsel vm10, v0, v3;
	vm13 =	veq.f32 v8, v5  }
0x35: {  	v44 =	vmctz.xlane vm12;
	v8 =	vmul.u32 $0x80, v46;
	vm10 =	vmmov $0x1fff  }
0x36: {  	v0 =	vsel vm11, v0, v39;
	v43, _, _ =	vpop (xrf0);
	v45 =	vmctz.xlane vm13;
	v2 =	vbroadcast v42, $0xF  }
0x37: {  	v47, _, _ =	vpop (xrf0);
	v0 =	vsel vm14, v0, v44;
	v4 =	vbroadcast v43, $0xF;
	v49 =	vor.u32 $0x1, v8  }
0x38: {  	v48 =	vbroadcast v47, $0xF;
	v0 =	vsel vm0, v0, v45;
	vm15 =	veq.f32 v34, v2;
	v50, _, _ =	vpop (xrf0)  }
0x39: {  	vm4 =	veq.f32 v11, v4;
	v51 =	vmctz.xlane vm15;
	v53 =	vbroadcast v50, $0xF;
	v54, _, _ =	vpop (xrf0)  }
0x3a: {  	vm5 =	veq.f32 v37, v48;
	v52 =	vmctz.xlane vm4;
	v55 =	vbroadcast v54, $0xF  }
0x3b: {  	v0 =	vsel vm6, v0, v51;
	vm8 =	veq.f32 v9, v53;
	v56 =	vmctz.xlane vm5;
	v57 =	vld.idx.msk [tilespmem:v8+s24+$0x0], $0xffff  }
0x3c: {  	v0 =	vsel vm7, v0, v52;
	v58 =	vmctz.xlane vm8;
	v2 =	vld.idx.msk [tilespmem:v49+s24+$0x0], $0xffff;
	vm9 =	veq.f32 v41, v55  }
0x3d: {  	vm11 =	vmmov $0x3fff;
	v0 =	vsel vm10, v0, v56;
	v59 =	vmctz.xlane vm9  }
0x3e: {  	vm12 =	vmmov $0x7fff;
	v0 =	vsel vm11, v0, v58  }
0x3f: {  	v60 =	vimm.s32 $0xB80;
	vm13 =	vcmask $0x300;
	v0 =	vsel vm12, v0, v59  }
0x40: {  	v1 =	vsel vm13, $0x0, v60;
	vm14 =	vcmask $0x704;
	vm0 =	vlt.s32 v0, v57  }
0x41: {  	v1 =	vsel vm14, $0x80, v1;
	vm15 =	vcmask $0xB08;
	v2 =	vsel vm0, $0x0, v2  }
0x42: {  	v1 =	vsel vm15, $0x100, v1;
	vm4 =	vcmask $0xF0C;
	v0 =	vadd.s32 v0, v2  }
0x43: {  	v1 =	vsel vm4, $0x180, v1;
	vm5 =	vcmask $0x1310  }
0x44: {  	vm6 =	vcmask $0x1714;
	v1 =	vsel vm5, $0x200, v1  }
0x45: {  	vm7 =	vcmask $0x1B18;
	v1 =	vsel vm6, $0x280, v1  }
0x46: {  	vm8 =	vcmask $0x1F1C;
	v1 =	vsel vm7, $0x300, v1  }
0x47: {  	v1 =	vsel vm8, $0x380, v1;
	vm9 =	vcmask $0x2320;
	v0 =	vld.idx.msk [tilespmem:v0+s25+$0x0], $0xffff  }
0x48: {  	vm10 =	vcmask $0x2724;
	v1 =	vsel vm9, $0x800, v1  }
0x49: {  	vm11 =	vcmask $0x2B28;
	v1 =	vsel vm10, $0x880, v1  }
0x4a: {  	v61 =	vor.u32 $0xA, v8;
	vm12 =	vcmask $0x2F2C;
	v1 =	vsel vm11, $0x900, v1  }
0x4b: {  	vm13 =	vcmask $0x3330;
	vm14 =	vcmask $0x3734;
	v1 =	vsel vm12, $0x980, v1  }
0x4c: {  	v1 =	vsel vm13, $0xA00, v1;
	v62 =	vand.u32 $0x7F, v0;
	v0 =	vshll.u32 v0, $0x3  }
0x4d: {  	vm15 =	vcmask $0x3B38;
	v1 =	vsel vm14, $0xA80, v1;
	v0 =	vand.u32 $0xFFFFFC00, v0  }
0x4e: {  	v1 =	vsel vm15, $0xB00, v1;
	v0 =	vor.u32 v62, v0  }
0x4f: {  	v0 =	vadd.s32 v1, v0  }
0x50: {  	s28 =	simm.s32 $0x1  }
0x51: {  	v63 =	vld.idx.msk [tilespmem:v61+s23+$0x0], $0xffff;
	_ =	swait.ge [sflag:s28], $0x1000  }
0x52: {  	[sflag:s28] =	ssyncset.done $0x0  }
0x53: {  	[sflag:s28] =	ssyncadd.s32 $0xFFFFF000  }
0x54: {  	v0 =	vld.idx.msk [tilespmem:v0+s2+$0x0], $0xffff;
	_ =	sdelay $0x4  }
0x55: {  	v0 =	vsub.f32 v63, v0;
	_ =	sdelay $0x1  }
0x56: {  	v0 =	vadd.f32 $1.000000000e+00, v0  }
0x57: {  	s29 =	sshll.u32 s1, $0x1  }
0x58: {  	s3 =	sadd.s32 s29, s3;
	v0 =	vmax.f32 v0, $0.0e+00  }
0x59: {  	s30 =	simm.s32 $0x2100;
	s31 =	simm.s32 $0x3;
	s3 =	sadd.s32 $0x5000, s3;
	[tilespmem:$0x2100] =	vst v0  }
0x5a: {  	[hbm4b:s3+s2] =	stream.linear.scatter [tilespmem:s30], [sflag:$0x3], $0x10, $0x38;
	[tilespmem:$0x2180] =	vst v63  }
0x5b: {  	_ =	swait.ge [sflag:s31], $0x10  }
0x5c: {  	[sflag:s31] =	ssyncset.done $0x0  }
0x5d: {  	[sflag:s31] =	ssyncadd.s32 $0xFFFFFFF0  }
0x5e: {  	_ =	sfence.sel $0x180000  }
0x5f: {  	[bflag:$0x0] =	sbarrier.arrive $0xFFFF  }
0x60: {  	p0 =	sne.s32 s1, $0x0;
	_ =	strace $0x90000047  }
0x61: {  	s0 =	sadd.s32 @!p0 $0x100000, s0;
	[bflag:$0x2] =	sbarrier.arrive $0xFFFF  }
0x62: {  	[sflag:s0] =	ssyncadd.tile.s32 @!p0 $0x1;
	_ =	shalt  }
.Lfunc_end2:
_tile_overlayer_lowered:
.L_overlay_start_2:
0x63: {  	(tag) =	ssettag $0x2  }
0x64: {  	s0 =	rddreg [dreg:$0x0];
	s2 =	stileid.u32  }
0x65: {  	s1 =	rddreg [dreg:$0x1];
	p0 =	sne.s32 s2, $0x0  }
0x66: {  	s3 =	rddreg [dreg:$0x2];
	[bflag:$0x3] =	sbarrier.arrive $0xFFFF;
	s2 =	simm.s32 @!p0 $0x1C03  }
0x67: {  	[timem:s3], [sflag:s2] =	dma.local @!p0 [hbm:s0], s1  }
0x68: {  	s0 =	simm.s32 @!p0 $0x3  }
0x69: {  	_ =	swait.ge @!p0 [sflag:s0], s1  }
0x6a: {  	s1 =	ssub.s32 @!p0 $0x0, s1;
	[sflag:s0] =	ssyncset.done @!p0 $0x0  }
0x6b: {  	[sflag:s0] =	ssyncadd.s32 @!p0 s1  }
0x6c: {  	[bflag:$0x3] =	sbarrier.arrive $0xFFFF  }
0x6d: {  	_ =	shalt  }

</sc_bundles>
